<compile_context>
chip_gen: v7x
topology: tpu7x:2x2x1
jax: 0.10.2.dev20260603
libtpu: 0.0.44.dev20260713+nightly
codegen_flags: <defaults>
</compile_context>

<pallas_src>
import functools

import jax
import jax.numpy as jnp
from jax import lax
from jax.experimental import pallas as pl
from jax.experimental.pallas import tpu as pltpu
from jax.experimental.pallas import tpu_sc as plsc

N, E, D, H = 10000, 320000, 128, 128
NC, NS = 2, 16
NW = NC * NS
E_PER_W = E // NW
CHUNK = 80
NCH = E_PER_W // CHUNK
NG = 5
GCH = NCH // NG
RPT = 624
TAIL = N - NS * RPT

_mesh = plsc.VectorSubcoreMesh(core_axis_name="c", subcore_axis_name="s")


@functools.partial(
    pl.kernel,
    out_type=jax.ShapeDtypeStruct((NC, N, D), jnp.float32),
    mesh=_mesh,
    scratch_types=[
        pltpu.VMEM((2, GCH, CHUNK), jnp.int32),
        pltpu.VMEM((2, GCH, CHUNK), jnp.int32),
        pltpu.VMEM((3, CHUNK, D), jnp.float32),
        pltpu.VMEM_SHARED((N, D), jnp.float32),
        pltpu.SemaphoreType.DMA,
        pltpu.SemaphoreType.DMA,
        pltpu.SemaphoreType.DMA,
        pltpu.SemaphoreType.DMA,
        pltpu.SemaphoreType.DMA,
        pltpu.SemaphoreType.DMA,
        pltpu.SemaphoreType.DMA,
    ],
)
def _agg(h_hbm, ei_hbm, out_hbm, src_v, dst_v, rows_v, acc_sh,
         g0, g1, g2, s0, s1, s2, isem):
    cid = lax.axis_index("c")
    sid = lax.axis_index("s")
    wid = sid * NC + cid

    gsem = (g0, g1, g2)
    ssem = (s0, s1, s2)

    def _stage_idx(g, slot):
        pltpu.async_copy(ei_hbm.at[0, wid, g], src_v.at[slot], isem)
        pltpu.async_copy(ei_hbm.at[1, wid, g], dst_v.at[slot], isem)

    def _wait_idx(g, slot):
        pltpu.make_async_copy(ei_hbm.at[0, wid, g], src_v.at[slot], isem).wait()
        pltpu.make_async_copy(ei_hbm.at[1, wid, g], dst_v.at[slot], isem).wait()

    def _gath(slot, j, s):
        pltpu.async_copy(h_hbm.at[src_v.at[slot, j]], rows_v.at[s], gsem[s])

    def _wait_g(slot, j, s):
        pltpu.make_async_copy(h_hbm.at[src_v.at[slot, j]], rows_v.at[s], gsem[s]).wait()

    def _scat(slot, j, s):
        pltpu.async_copy(rows_v.at[s], acc_sh.at[dst_v.at[slot, j]], ssem[s], add=True)

    def _wait_s(slot, j, s):
        pltpu.make_async_copy(rows_v.at[s], acc_sh.at[dst_v.at[slot, j]], ssem[s]).wait()

    _stage_idx(0, 0)

    pltpu.sync_copy(h_hbm.at[pl.ds(sid * RPT, RPT)], acc_sh.at[pl.ds(sid * RPT, RPT)])

    @pl.when(sid == 0)
    def _():
        pltpu.sync_copy(h_hbm.at[pl.ds(NS * RPT, TAIL)], acc_sh.at[pl.ds(NS * RPT, TAIL)])

    _wait_idx(0, 0)
    _gath(0, 0, 0)
    _gath(0, 1, 1)
    plsc.subcore_barrier()

    def group(g, _):
        slot = lax.rem(g, 2)

        @pl.when(g + 1 < NG)
        def _():
            _stage_idx(g + 1, 1 - slot)

        def triple(q, _):
            j0 = 3 * q
            @pl.when(q > 0)
            def _():
                _wait_s(slot, j0 - 1, 2)
            _gath(slot, j0 + 2, 2)
            _wait_g(slot, j0, 0)
            _scat(slot, j0, 0)
            _wait_s(slot, j0, 0)
            _gath(slot, j0 + 3, 0)
            _wait_g(slot, j0 + 1, 1)
            _scat(slot, j0 + 1, 1)
            _wait_s(slot, j0 + 1, 1)

            @pl.when(j0 + 4 < GCH)
            def _():
                _gath(slot, j0 + 4, 1)
            _wait_g(slot, j0 + 2, 2)
            _scat(slot, j0 + 2, 2)
            return 0

        lax.fori_loop(0, GCH // 3, triple, 0)
        _wait_s(slot, GCH - 2, 2)
        _wait_g(slot, GCH - 1, 0)
        _scat(slot, GCH - 1, 0)
        _wait_s(slot, GCH - 1, 0)

        @pl.when(g + 1 < NG)
        def _():
            _wait_idx(g + 1, 1 - slot)
            _gath(1 - slot, 0, 0)
            _gath(1 - slot, 1, 1)
        return 0

    lax.fori_loop(0, NG, group, 0)

    plsc.subcore_barrier()
    pltpu.sync_copy(acc_sh.at[pl.ds(sid * RPT, RPT)],
                    out_hbm.at[cid, pl.ds(sid * RPT, RPT)])

    @pl.when(sid == 0)
    def _():
        pltpu.sync_copy(acc_sh.at[pl.ds(NS * RPT, TAIL)],
                        out_hbm.at[cid, pl.ds(NS * RPT, TAIL)])


BLK = 5000


def _mlp_body(h_ref, p0_ref, p1_ref, w1_ref, b1_ref, w2_ref, b2_ref, o_ref):
    m = p0_ref[0] + p1_ref[0] - h_ref[...]
    t = jnp.dot(m, w1_ref[...], preferred_element_type=jnp.float32) + b1_ref[...]
    t = jnp.maximum(t, 0.0)
    o = jnp.dot(t, w2_ref[...], preferred_element_type=jnp.float32) + b2_ref[...]
    o_ref[...] = jnp.maximum(o, 0.0)


def _mlp(h, p, W1, b1, W2, b2):
    row_spec = pl.BlockSpec((BLK, D), lambda i: (i, 0))
    full = pl.BlockSpec((D, H), lambda i: (0, 0))
    bias = pl.BlockSpec((1, H), lambda i: (0, 0))
    return pl.pallas_call(
        _mlp_body,
        grid=(N // BLK,),
        in_specs=[row_spec,
                  pl.BlockSpec((1, BLK, D), lambda i: (0, i, 0)),
                  pl.BlockSpec((1, BLK, D), lambda i: (1, i, 0)),
                  full, bias, full, bias],
        out_specs=pl.BlockSpec((BLK, H), lambda i: (i, 0)),
        out_shape=jax.ShapeDtypeStruct((N, H), jnp.float32),
    )(h, p, p, W1, b1.reshape(1, H), W2, b2.reshape(1, H))


def kernel(x, edge_index, batch, W1a, b1a, W2a, b2a, W1b, b1b, W2b, b2b):
    ei5 = edge_index.reshape(2, NW, NG, GCH, CHUNK)
    p = _agg(x, ei5)
    h1 = _mlp(x, p, W1a, b1a, W2a, b2a)
    p2 = _agg(h1, ei5)
    return _mlp(h1, p2, W1b, b1b, W2b, b2b)

# --- scband reference (transcript-rebuilt; emitter-appended) ---
"""Pipeline reference for scband-ginencoder-84482006712591 (READ-ONLY COPY).

The authoritative reference and input builder live on the scoring server;
editing this copy changes nothing except your own understanding.
"""

import jax, jax.numpy as jnp
import numpy as np

N, E, D, H = 10000, 320000, 128, 128


def _linear_init(key, fan_in, shape):
    s = 1.0 / np.sqrt(fan_in)
    return jax.random.uniform(key, shape, minval=-s, maxval=s, dtype=jnp.float32)


def setup_inputs(seed: int = 0):
    key = jax.random.key(seed)
    ks = jax.random.split(key, 12)
    x = jax.random.normal(ks[0], (N, D), dtype=jnp.float32)
    edge_index = jax.random.randint(ks[1], (2, E), 0, N, dtype=jnp.int32)
    batch = jnp.sort(jax.random.randint(ks[2], (N,), 0, 64, dtype=jnp.int32))
    W1a = _linear_init(ks[3], D, (D, H))
    b1a = _linear_init(ks[4], D, (H,))
    W2a = _linear_init(ks[5], H, (H, H))
    b2a = _linear_init(ks[6], H, (H,))
    W1b = _linear_init(ks[7], H, (H, H))
    b1b = _linear_init(ks[8], H, (H,))
    W2b = _linear_init(ks[9], H, (H, H))
    b2b = _linear_init(ks[10], H, (H,))
    return {"x": x, "edge_index": edge_index, "batch": batch,
            "W1a": W1a, "b1a": b1a, "W2a": W2a, "b2a": b2a,
            "W1b": W1b, "b1b": b1b, "W2b": W2b, "b2b": b2b}


def _gin_conv(h, edge_index, W1, b1, W2, b2, eps=0.0):
    # GINConv: mlp((1 + eps) * x_i + sum_{j in N(i)} x_j), sum aggregation
    src = edge_index[0]
    dst = edge_index[1]
    msgs = jnp.take(h, src, axis=0)                 # gather (SparseCore)
    agg = jnp.zeros_like(h).at[dst].add(msgs)       # scatter-add (SparseCore)
    m = (1.0 + eps) * h + agg
    m = jnp.maximum(jnp.dot(m, W1) + b1, 0.0)
    m = jnp.dot(m, W2) + b2
    return m


def reference(x, edge_index, batch, W1a, b1a, W2a, b2a, W1b, b1b, W2b, b2b):
    h = jnp.maximum(_gin_conv(x, edge_index, W1a, b1a, W2a, b2a), 0.0)
    h = jnp.maximum(_gin_conv(h, edge_index, W1b, b1b, W2b, b2b), 0.0)
    return h

if __name__ == "__main__":
    import jax
    _d = setup_inputs()
    print(jax.jit(kernel)(*tuple(_d.values())))

</pallas_src>

<mosaic_0001>
#map = affine_map<(d0, d1) -> (0, 0)>
#map1 = affine_map<(d0, d1) -> (0, 0, 0, 0, 0)>
#map2 = affine_map<(d0, d1) -> (0, 0, 0)>
module attributes {stable_mosaic.version = 14 : i64} {
  func.func @_agg(%arg0: i32, %arg1: i32, %arg2: memref<10000x128xf32, #tpu.memory_space<hbm>>, %arg3: memref<2x32x5x25x80xi32, #tpu.memory_space<hbm>>, %arg4: memref<2x10000x128xf32, #tpu.memory_space<hbm>>, %arg5: memref<2x25x80xi32, #tpu.memory_space<vmem>>, %arg6: memref<2x25x80xi32, #tpu.memory_space<vmem>>, %arg7: memref<3x80x128xf32, #tpu.memory_space<vmem>>, %arg8: memref<10000x128xf32, #tpu.memory_space<vmem_shared>>, %arg9: memref<!tpu.dma_semaphore, #tpu.memory_space<semaphore_mem>>, %arg10: memref<!tpu.dma_semaphore, #tpu.memory_space<semaphore_mem>>, %arg11: memref<!tpu.dma_semaphore, #tpu.memory_space<semaphore_mem>>, %arg12: memref<!tpu.dma_semaphore, #tpu.memory_space<semaphore_mem>>, %arg13: memref<!tpu.dma_semaphore, #tpu.memory_space<semaphore_mem>>, %arg14: memref<!tpu.dma_semaphore, #tpu.memory_space<semaphore_mem>>, %arg15: memref<!tpu.dma_semaphore, #tpu.memory_space<semaphore_mem>>) attributes {dimension_semantics = [#tpu.dimension_semantics<core_parallel>, #tpu.dimension_semantics<subcore_parallel>], iteration_bounds = array<i64: 2, 16>, scalar_prefetch = 0 : i64, scratch_operands = 11 : i64, tpu.core_type = #tpu.core_type<sc_vector_subcore>, window_params = [{transform_indices = #map}, {transform_indices = #map1}, {transform_indices = #map2}]} {
    %mul3A = arith.constant 2 : i32
    %mul3A_0 = arith.muli %arg1, %mul3A : i32
    %add3A = arith.addi %mul3A_0, %arg0 : i32
    %dma_start3A = arith.constant 0 : i32
    %dma_start3A_1 = arith.constant 0 : i32
    %dma_start3A_2 = arith.constant 0 : i32
    %dma_start3A_3 = arith.constant 0 : i32
    %dma_start3A_4 = arith.constant 0 : i32
    %dma_start3A_5 = tpu.memref_slice %arg5[%dma_start3A_2, %dma_start3A_3, %dma_start3A_4] : memref<2x25x80xi32, #tpu.memory_space<vmem>> -> memref<1x25x80xi32, #tpu.memory_space<vmem>>
    %dma_start3A_6 = tpu.memref_squeeze %dma_start3A_5 : memref<1x25x80xi32, #tpu.memory_space<vmem>> -> memref<25x80xi32, #tpu.memory_space<vmem>>
    %dma_start3A_7 = arith.constant 0 : i32
    %dma_start3A_8 = arith.constant 0 : i32
    %dma_start3A_9 = tpu.memref_slice %arg3[%dma_start3A, %add3A, %dma_start3A_1, %dma_start3A_7, %dma_start3A_8] : memref<2x32x5x25x80xi32, #tpu.memory_space<hbm>> -> memref<1x1x1x25x80xi32, #tpu.memory_space<hbm>>
    %dma_start3A_10 = tpu.memref_squeeze %dma_start3A_9 : memref<1x1x1x25x80xi32, #tpu.memory_space<hbm>> -> memref<25x80xi32, #tpu.memory_space<hbm>>
    %dma_start3A_11 = arith.constant 0 : i32
    %dma_start3A_12 = arith.constant 0 : i32
    %dma_start3A_13 = tpu.memref_slice %arg5[%dma_start3A_2, %dma_start3A_11, %dma_start3A_12] : memref<2x25x80xi32, #tpu.memory_space<vmem>> -> memref<1x25x80xi32, #tpu.memory_space<vmem>>
    %dma_start3A_14 = tpu.memref_squeeze %dma_start3A_13 : memref<1x25x80xi32, #tpu.memory_space<vmem>> -> memref<25x80xi32, #tpu.memory_space<vmem>>
    %dma_start3A_15 = arith.constant 0 : i32
    %dma_start3A_16 = arith.constant 0 : i32
    %dma_start3A_17 = tpu.memref_slice %arg3[%dma_start3A, %add3A, %dma_start3A_1, %dma_start3A_15, %dma_start3A_16] : memref<2x32x5x25x80xi32, #tpu.memory_space<hbm>> -> memref<1x1x1x25x80xi32, #tpu.memory_space<hbm>>
    %dma_start3A_18 = tpu.memref_squeeze %dma_start3A_17 : memref<1x1x1x25x80xi32, #tpu.memory_space<hbm>> -> memref<25x80xi32, #tpu.memory_space<hbm>>
    tpu.enqueue_dma source(%dma_start3A_18 : memref<25x80xi32, #tpu.memory_space<hbm>>) target(%dma_start3A_14 : memref<25x80xi32, #tpu.memory_space<vmem>>) target_semaphore(%arg15 : memref<!tpu.dma_semaphore, #tpu.memory_space<semaphore_mem>>)
    %dma_start3A_19 = arith.constant 1 : i32
    %dma_start3A_20 = arith.constant 0 : i32
    %dma_start3A_21 = arith.constant 0 : i32
    %dma_start3A_22 = arith.constant 0 : i32
    %dma_start3A_23 = arith.constant 0 : i32
    %dma_start3A_24 = tpu.memref_slice %arg6[%dma_start3A_21, %dma_start3A_22, %dma_start3A_23] : memref<2x25x80xi32, #tpu.memory_space<vmem>> -> memref<1x25x80xi32, #tpu.memory_space<vmem>>
    %dma_start3A_25 = tpu.memref_squeeze %dma_start3A_24 : memref<1x25x80xi32, #tpu.memory_space<vmem>> -> memref<25x80xi32, #tpu.memory_space<vmem>>
    %dma_start3A_26 = arith.constant 0 : i32
    %dma_start3A_27 = arith.constant 0 : i32
    %dma_start3A_28 = tpu.memref_slice %arg3[%dma_start3A_19, %add3A, %dma_start3A_20, %dma_start3A_26, %dma_start3A_27] : memref<2x32x5x25x80xi32, #tpu.memory_space<hbm>> -> memref<1x1x1x25x80xi32, #tpu.memory_space<hbm>>
    %dma_start3A_29 = tpu.memref_squeeze %dma_start3A_28 : memref<1x1x1x25x80xi32, #tpu.memory_space<hbm>> -> memref<25x80xi32, #tpu.memory_space<hbm>>
    %dma_start3A_30 = arith.constant 0 : i32
    %dma_start3A_31 = arith.constant 0 : i32
    %dma_start3A_32 = tpu.memref_slice %arg6[%dma_start3A_21, %dma_start3A_30, %dma_start3A_31] : memref<2x25x80xi32, #tpu.memory_space<vmem>> -> memref<1x25x80xi32, #tpu.memory_space<vmem>>
    %dma_start3A_33 = tpu.memref_squeeze %dma_start3A_32 : memref<1x25x80xi32, #tpu.memory_space<vmem>> -> memref<25x80xi32, #tpu.memory_space<vmem>>
    %dma_start3A_34 = arith.constant 0 : i32
    %dma_start3A_35 = arith.constant 0 : i32
    %dma_start3A_36 = tpu.memref_slice %arg3[%dma_start3A_19, %add3A, %dma_start3A_20, %dma_start3A_34, %dma_start3A_35] : memref<2x32x5x25x80xi32, #tpu.memory_space<hbm>> -> memref<1x1x1x25x80xi32, #tpu.memory_space<hbm>>
    %dma_start3A_37 = tpu.memref_squeeze %dma_start3A_36 : memref<1x1x1x25x80xi32, #tpu.memory_space<hbm>> -> memref<25x80xi32, #tpu.memory_space<hbm>>
    tpu.enqueue_dma source(%dma_start3A_37 : memref<25x80xi32, #tpu.memory_space<hbm>>) target(%dma_start3A_33 : memref<25x80xi32, #tpu.memory_space<vmem>>) target_semaphore(%arg15 : memref<!tpu.dma_semaphore, #tpu.memory_space<semaphore_mem>>)
    %mul3A_38 = arith.constant 624 : i32
    %mul3A_39 = arith.muli %arg1, %mul3A_38 : i32
    %mul3A_40 = arith.constant 624 : i32
    %mul3A_41 = arith.muli %arg1, %mul3A_40 : i32
    "tpu.region"() ({
      %run_scoped3A = tpu.sem_alloc : memref<!tpu.dma_semaphore, #tpu.memory_space<semaphore_mem>>
      %dma_start3A_123 = arith.constant 0 : i32
      %dma_start3A_124 = tpu.memref_slice %arg8[%mul3A_41, %dma_start3A_123] : memref<10000x128xf32, #tpu.memory_space<vmem_shared>> -> memref<624x128xf32, #tpu.memory_space<vmem_shared>>
      %dma_start3A_125 = arith.constant 0 : i32
      %dma_start3A_126 = tpu.memref_slice %arg2[%mul3A_39, %dma_start3A_125] : memref<10000x128xf32, #tpu.memory_space<hbm>> -> memref<624x128xf32, #tpu.memory_space<hbm>>
      tpu.enqueue_dma source(%dma_start3A_126 : memref<624x128xf32, #tpu.memory_space<hbm>>) target(%dma_start3A_124 : memref<624x128xf32, #tpu.memory_space<vmem_shared>>) target_semaphore(%run_scoped3A : memref<!tpu.dma_semaphore, #tpu.memory_space<semaphore_mem>>)
      %dma_wait3A_127 = arith.constant 0 : i32
      %dma_wait3A_128 = tpu.memref_slice %arg8[%mul3A_41, %dma_wait3A_127] : memref<10000x128xf32, #tpu.memory_space<vmem_shared>> -> memref<624x128xf32, #tpu.memory_space<vmem_shared>>
      %dma_wait3A_129 = arith.constant 0 : i32
      %dma_wait3A_130 = tpu.memref_slice %arg2[%mul3A_39, %dma_wait3A_129] : memref<10000x128xf32, #tpu.memory_space<hbm>> -> memref<624x128xf32, #tpu.memory_space<hbm>>
      tpu.wait_dma2 semaphore(%run_scoped3A : memref<!tpu.dma_semaphore, #tpu.memory_space<semaphore_mem>>) src(%dma_wait3A_130 : memref<624x128xf32, #tpu.memory_space<hbm>>) dst(%dma_wait3A_128 : memref<624x128xf32, #tpu.memory_space<vmem_shared>>)
      tpu.yield
    }) : () -> ()
    %eq3A = arith.constant 0 : i32
    %eq3A_42 = arith.cmpi eq, %arg1, %eq3A : i32
    %convert_element_type3A = arith.extui %eq3A_42 : i1 to i32
    %cond3A = arith.constant 0 : i32
    %cond3A_43 = arith.cmpi ne, %convert_element_type3A, %cond3A : i32
    scf.if %cond3A_43 {
      "tpu.region"() ({
        %run_scoped3A = tpu.sem_alloc : memref<!tpu.dma_semaphore, #tpu.memory_space<semaphore_mem>>
        %dma_start3A_123 = arith.constant 9984 : i32
        %dma_start3A_124 = arith.constant 0 : i32
        %dma_start3A_125 = tpu.memref_slice %arg8[%dma_start3A_123, %dma_start3A_124] : memref<10000x128xf32, #tpu.memory_space<vmem_shared>> -> memref<16x128xf32, #tpu.memory_space<vmem_shared>>
        %dma_start3A_126 = arith.constant 9984 : i32
        %dma_start3A_127 = arith.constant 0 : i32
        %dma_start3A_128 = tpu.memref_slice %arg2[%dma_start3A_126, %dma_start3A_127] : memref<10000x128xf32, #tpu.memory_space<hbm>> -> memref<16x128xf32, #tpu.memory_space<hbm>>
        tpu.enqueue_dma source(%dma_start3A_128 : memref<16x128xf32, #tpu.memory_space<hbm>>) target(%dma_start3A_125 : memref<16x128xf32, #tpu.memory_space<vmem_shared>>) target_semaphore(%run_scoped3A : memref<!tpu.dma_semaphore, #tpu.memory_space<semaphore_mem>>)
        %dma_wait3A_129 = arith.constant 9984 : i32
        %dma_wait3A_130 = arith.constant 0 : i32
        %dma_wait3A_131 = tpu.memref_slice %arg8[%dma_wait3A_129, %dma_wait3A_130] : memref<10000x128xf32, #tpu.memory_space<vmem_shared>> -> memref<16x128xf32, #tpu.memory_space<vmem_shared>>
        %dma_wait3A_132 = arith.constant 9984 : i32
        %dma_wait3A_133 = arith.constant 0 : i32
        %dma_wait3A_134 = tpu.memref_slice %arg2[%dma_wait3A_132, %dma_wait3A_133] : memref<10000x128xf32, #tpu.memory_space<hbm>> -> memref<16x128xf32, #tpu.memory_space<hbm>>
        tpu.wait_dma2 semaphore(%run_scoped3A : memref<!tpu.dma_semaphore, #tpu.memory_space<semaphore_mem>>) src(%dma_wait3A_134 : memref<16x128xf32, #tpu.memory_space<hbm>>) dst(%dma_wait3A_131 : memref<16x128xf32, #tpu.memory_space<vmem_shared>>)
        tpu.yield
      }) : () -> ()
    } else {
    }
    %dma_wait3A = arith.constant 0 : i32
    %dma_wait3A_44 = arith.constant 0 : i32
    %dma_wait3A_45 = arith.constant 0 : i32
    %dma_wait3A_46 = arith.constant 0 : i32
    %dma_wait3A_47 = arith.constant 0 : i32
    %dma_wait3A_48 = tpu.memref_slice %arg5[%dma_wait3A_45, %dma_wait3A_46, %dma_wait3A_47] : memref<2x25x80xi32, #tpu.memory_space<vmem>> -> memref<1x25x80xi32, #tpu.memory_space<vmem>>
    %dma_wait3A_49 = tpu.memref_squeeze %dma_wait3A_48 : memref<1x25x80xi32, #tpu.memory_space<vmem>> -> memref<25x80xi32, #tpu.memory_space<vmem>>
    %dma_wait3A_50 = arith.constant 0 : i32
    %dma_wait3A_51 = arith.constant 0 : i32
    %dma_wait3A_52 = tpu.memref_slice %arg3[%dma_wait3A, %add3A, %dma_wait3A_44, %dma_wait3A_50, %dma_wait3A_51] : memref<2x32x5x25x80xi32, #tpu.memory_space<hbm>> -> memref<1x1x1x25x80xi32, #tpu.memory_space<hbm>>
    %dma_wait3A_53 = tpu.memref_squeeze %dma_wait3A_52 : memref<1x1x1x25x80xi32, #tpu.memory_space<hbm>> -> memref<25x80xi32, #tpu.memory_space<hbm>>
    %dma_wait3A_54 = arith.constant 0 : i32
    %dma_wait3A_55 = arith.constant 0 : i32
    %dma_wait3A_56 = tpu.memref_slice %arg5[%dma_wait3A_45, %dma_wait3A_54, %dma_wait3A_55] : memref<2x25x80xi32, #tpu.memory_space<vmem>> -> memref<1x25x80xi32, #tpu.memory_space<vmem>>
    %dma_wait3A_57 = tpu.memref_squeeze %dma_wait3A_56 : memref<1x25x80xi32, #tpu.memory_space<vmem>> -> memref<25x80xi32, #tpu.memory_space<vmem>>
    %dma_wait3A_58 = arith.constant 0 : i32
    %dma_wait3A_59 = arith.constant 0 : i32
    %dma_wait3A_60 = tpu.memref_slice %arg3[%dma_wait3A, %add3A, %dma_wait3A_44, %dma_wait3A_58, %dma_wait3A_59] : memref<2x32x5x25x80xi32, #tpu.memory_space<hbm>> -> memref<1x1x1x25x80xi32, #tpu.memory_space<hbm>>
    %dma_wait3A_61 = tpu.memref_squeeze %dma_wait3A_60 : memref<1x1x1x25x80xi32, #tpu.memory_space<hbm>> -> memref<25x80xi32, #tpu.memory_space<hbm>>
    tpu.wait_dma2 semaphore(%arg15 : memref<!tpu.dma_semaphore, #tpu.memory_space<semaphore_mem>>) src(%dma_wait3A_61 : memref<25x80xi32, #tpu.memory_space<hbm>>) dst(%dma_wait3A_57 : memref<25x80xi32, #tpu.memory_space<vmem>>)
    %dma_wait3A_62 = arith.constant 1 : i32
    %dma_wait3A_63 = arith.constant 0 : i32
    %dma_wait3A_64 = arith.constant 0 : i32
    %dma_wait3A_65 = arith.constant 0 : i32
    %dma_wait3A_66 = arith.constant 0 : i32
    %dma_wait3A_67 = tpu.memref_slice %arg6[%dma_wait3A_64, %dma_wait3A_65, %dma_wait3A_66] : memref<2x25x80xi32, #tpu.memory_space<vmem>> -> memref<1x25x80xi32, #tpu.memory_space<vmem>>
    %dma_wait3A_68 = tpu.memref_squeeze %dma_wait3A_67 : memref<1x25x80xi32, #tpu.memory_space<vmem>> -> memref<25x80xi32, #tpu.memory_space<vmem>>
    %dma_wait3A_69 = arith.constant 0 : i32
    %dma_wait3A_70 = arith.constant 0 : i32
    %dma_wait3A_71 = tpu.memref_slice %arg3[%dma_wait3A_62, %add3A, %dma_wait3A_63, %dma_wait3A_69, %dma_wait3A_70] : memref<2x32x5x25x80xi32, #tpu.memory_space<hbm>> -> memref<1x1x1x25x80xi32, #tpu.memory_space<hbm>>
    %dma_wait3A_72 = tpu.memref_squeeze %dma_wait3A_71 : memref<1x1x1x25x80xi32, #tpu.memory_space<hbm>> -> memref<25x80xi32, #tpu.memory_space<hbm>>
    %dma_wait3A_73 = arith.constant 0 : i32
    %dma_wait3A_74 = arith.constant 0 : i32
    %dma_wait3A_75 = tpu.memref_slice %arg6[%dma_wait3A_64, %dma_wait3A_73, %dma_wait3A_74] : memref<2x25x80xi32, #tpu.memory_space<vmem>> -> memref<1x25x80xi32, #tpu.memory_space<vmem>>
    %dma_wait3A_76 = tpu.memref_squeeze %dma_wait3A_75 : memref<1x25x80xi32, #tpu.memory_space<vmem>> -> memref<25x80xi32, #tpu.memory_space<vmem>>
    %dma_wait3A_77 = arith.constant 0 : i32
    %dma_wait3A_78 = arith.constant 0 : i32
    %dma_wait3A_79 = tpu.memref_slice %arg3[%dma_wait3A_62, %add3A, %dma_wait3A_63, %dma_wait3A_77, %dma_wait3A_78] : memref<2x32x5x25x80xi32, #tpu.memory_space<hbm>> -> memref<1x1x1x25x80xi32, #tpu.memory_space<hbm>>
    %dma_wait3A_80 = tpu.memref_squeeze %dma_wait3A_79 : memref<1x1x1x25x80xi32, #tpu.memory_space<hbm>> -> memref<25x80xi32, #tpu.memory_space<hbm>>
    tpu.wait_dma2 semaphore(%arg15 : memref<!tpu.dma_semaphore, #tpu.memory_space<semaphore_mem>>) src(%dma_wait3A_80 : memref<25x80xi32, #tpu.memory_space<hbm>>) dst(%dma_wait3A_76 : memref<25x80xi32, #tpu.memory_space<vmem>>)
    %dma_start3A_81 = arith.constant 0 : i32
    %dma_start3A_82 = arith.constant 0 : i32
    %dma_start3A_83 = arith.constant 0 : i32
    %dma_start3A_84 = arith.constant 0 : i32
    %dma_start3A_85 = arith.constant 0 : i32
    %dma_start3A_86 = tpu.memref_slice %arg7[%dma_start3A_83, %dma_start3A_84, %dma_start3A_85] : memref<3x80x128xf32, #tpu.memory_space<vmem>> -> memref<1x80x128xf32, #tpu.memory_space<vmem>>
    %dma_start3A_87 = tpu.memref_squeeze %dma_start3A_86 : memref<1x80x128xf32, #tpu.memory_space<vmem>> -> memref<80x128xf32, #tpu.memory_space<vmem>>
    %dma_start3A_88 = arith.constant 0 : i32
    %dma_start3A_89 = tpu.memref_slice %arg5[%dma_start3A_81, %dma_start3A_82, %dma_start3A_88] : memref<2x25x80xi32, #tpu.memory_space<vmem>> -> memref<1x1x80xi32, #tpu.memory_space<vmem>>
    %dma_start3A_90 = tpu.memref_squeeze %dma_start3A_89 : memref<1x1x80xi32, #tpu.memory_space<vmem>> -> memref<80xi32, #tpu.memory_space<vmem>>
    %dma_start3A_91 = arith.constant 0 : i32
    %dma_start3A_92 = arith.constant 0 : i32
    %dma_start3A_93 = tpu.memref_slice %arg2[%dma_start3A_91, %dma_start3A_92] : memref<10000x128xf32, #tpu.memory_space<hbm>> -> memref<10000x128xf32, #tpu.memory_space<hbm>>
    tpu.enqueue_indirect_dma source(%dma_start3A_93 : memref<10000x128xf32, #tpu.memory_space<hbm>>) target(%dma_start3A_87 : memref<80x128xf32, #tpu.memory_space<vmem>>) offsets(%dma_start3A_90 : memref<80xi32, #tpu.memory_space<vmem>>) semaphore(%arg9 : memref<!tpu.dma_semaphore, #tpu.memory_space<semaphore_mem>>)
    %dma_start3A_94 = arith.constant 0 : i32
    %dma_start3A_95 = arith.constant 1 : i32
    %dma_start3A_96 = arith.constant 1 : i32
    %dma_start3A_97 = arith.constant 0 : i32
    %dma_start3A_98 = arith.constant 0 : i32
    %dma_start3A_99 = tpu.memref_slice %arg7[%dma_start3A_96, %dma_start3A_97, %dma_start3A_98] : memref<3x80x128xf32, #tpu.memory_space<vmem>> -> memref<1x80x128xf32, #tpu.memory_space<vmem>>
    %dma_start3A_100 = tpu.memref_squeeze %dma_start3A_99 : memref<1x80x128xf32, #tpu.memory_space<vmem>> -> memref<80x128xf32, #tpu.memory_space<vmem>>
    %dma_start3A_101 = arith.constant 0 : i32
    %dma_start3A_102 = tpu.memref_slice %arg5[%dma_start3A_94, %dma_start3A_95, %dma_start3A_101] : memref<2x25x80xi32, #tpu.memory_space<vmem>> -> memref<1x1x80xi32, #tpu.memory_space<vmem>>
    %dma_start3A_103 = tpu.memref_squeeze %dma_start3A_102 : memref<1x1x80xi32, #tpu.memory_space<vmem>> -> memref<80xi32, #tpu.memory_space<vmem>>
    %dma_start3A_104 = arith.constant 0 : i32
    %dma_start3A_105 = arith.constant 0 : i32
    %dma_start3A_106 = tpu.memref_slice %arg2[%dma_start3A_104, %dma_start3A_105] : memref<10000x128xf32, #tpu.memory_space<hbm>> -> memref<10000x128xf32, #tpu.memory_space<hbm>>
    tpu.enqueue_indirect_dma source(%dma_start3A_106 : memref<10000x128xf32, #tpu.memory_space<hbm>>) target(%dma_start3A_100 : memref<80x128xf32, #tpu.memory_space<vmem>>) offsets(%dma_start3A_103 : memref<80xi32, #tpu.memory_space<vmem>>) semaphore(%arg10 : memref<!tpu.dma_semaphore, #tpu.memory_space<semaphore_mem>>)
    %barrier3A = arith.constant 0 : index
    tpu.barrier barrier_id(%barrier3A)
    %scan3A = arith.constant 0 : i32
    %scan3A_107 = arith.constant 0 : i32
    %scan3A_108 = arith.constant 5 : i32
    %scan3A_109 = arith.addi %scan3A_107, %scan3A_108 : i32
    %scan3A_110 = arith.constant 1 : i32
    %scan3A_111 = scf.for %scan3A_123 = %scan3A_107 to %scan3A_109 step %scan3A_110 iter_args(%scan3A_124 = %scan3A) -> (i32)  : i32 {
      %rem3A = arith.constant 2 : i32
      %rem3A_125 = arith.remsi %scan3A_123, %rem3A : i32
      %add3A_126 = arith.constant 1 : i32
      %add3A_127 = arith.addi %scan3A_123, %add3A_126 : i32
      %lt3A = arith.constant 5 : i32
      %lt3A_128 = arith.cmpi slt, %add3A_127, %lt3A : i32
      %convert_element_type3A_129 = arith.extui %lt3A_128 : i1 to i32
      %cond3A_130 = arith.constant 0 : i32
      %cond3A_131 = arith.cmpi ne, %convert_element_type3A_129, %cond3A_130 : i32
      scf.if %cond3A_131 {
        %add3A_195 = arith.constant 1 : i32
        %add3A_196 = arith.addi %scan3A_123, %add3A_195 : i32
        %sub3A = arith.constant 1 : i32
        %sub3A_197 = arith.subi %sub3A, %rem3A_125 : i32
        %dma_start3A_198 = arith.constant 0 : i32
        %dma_start3A_199 = arith.constant 0 : i32
        %dma_start3A_200 = arith.constant 0 : i32
        %dma_start3A_201 = tpu.memref_slice %arg5[%sub3A_197, %dma_start3A_199, %dma_start3A_200] : memref<2x25x80xi32, #tpu.memory_space<vmem>> -> memref<1x25x80xi32, #tpu.memory_space<vmem>>
        %dma_start3A_202 = tpu.memref_squeeze %dma_start3A_201 : memref<1x25x80xi32, #tpu.memory_space<vmem>> -> memref<25x80xi32, #tpu.memory_space<vmem>>
        %dma_start3A_203 = arith.constant 0 : i32
        %dma_start3A_204 = arith.constant 0 : i32
        %dma_start3A_205 = tpu.memref_slice %arg3[%dma_start3A_198, %add3A, %add3A_196, %dma_start3A_203, %dma_start3A_204] : memref<2x32x5x25x80xi32, #tpu.memory_space<hbm>> -> memref<1x1x1x25x80xi32, #tpu.memory_space<hbm>>
        %dma_start3A_206 = tpu.memref_squeeze %dma_start3A_205 : memref<1x1x1x25x80xi32, #tpu.memory_space<hbm>> -> memref<25x80xi32, #tpu.memory_space<hbm>>
        %dma_start3A_207 = arith.constant 0 : i32
        %dma_start3A_208 = arith.constant 0 : i32
        %dma_start3A_209 = tpu.memref_slice %arg5[%sub3A_197, %dma_start3A_207, %dma_start3A_208] : memref<2x25x80xi32, #tpu.memory_space<vmem>> -> memref<1x25x80xi32, #tpu.memory_space<vmem>>
        %dma_start3A_210 = tpu.memref_squeeze %dma_start3A_209 : memref<1x25x80xi32, #tpu.memory_space<vmem>> -> memref<25x80xi32, #tpu.memory_space<vmem>>
        %dma_start3A_211 = arith.constant 0 : i32
        %dma_start3A_212 = arith.constant 0 : i32
        %dma_start3A_213 = tpu.memref_slice %arg3[%dma_start3A_198, %add3A, %add3A_196, %dma_start3A_211, %dma_start3A_212] : memref<2x32x5x25x80xi32, #tpu.memory_space<hbm>> -> memref<1x1x1x25x80xi32, #tpu.memory_space<hbm>>
        %dma_start3A_214 = tpu.memref_squeeze %dma_start3A_213 : memref<1x1x1x25x80xi32, #tpu.memory_space<hbm>> -> memref<25x80xi32, #tpu.memory_space<hbm>>
        tpu.enqueue_dma source(%dma_start3A_214 : memref<25x80xi32, #tpu.memory_space<hbm>>) target(%dma_start3A_210 : memref<25x80xi32, #tpu.memory_space<vmem>>) target_semaphore(%arg15 : memref<!tpu.dma_semaphore, #tpu.memory_space<semaphore_mem>>)
        %dma_start3A_215 = arith.constant 1 : i32
        %dma_start3A_216 = arith.constant 0 : i32
        %dma_start3A_217 = arith.constant 0 : i32
        %dma_start3A_218 = tpu.memref_slice %arg6[%sub3A_197, %dma_start3A_216, %dma_start3A_217] : memref<2x25x80xi32, #tpu.memory_space<vmem>> -> memref<1x25x80xi32, #tpu.memory_space<vmem>>
        %dma_start3A_219 = tpu.memref_squeeze %dma_start3A_218 : memref<1x25x80xi32, #tpu.memory_space<vmem>> -> memref<25x80xi32, #tpu.memory_space<vmem>>
        %dma_start3A_220 = arith.constant 0 : i32
        %dma_start3A_221 = arith.constant 0 : i32
        %dma_start3A_222 = tpu.memref_slice %arg3[%dma_start3A_215, %add3A, %add3A_196, %dma_start3A_220, %dma_start3A_221] : memref<2x32x5x25x80xi32, #tpu.memory_space<hbm>> -> memref<1x1x1x25x80xi32, #tpu.memory_space<hbm>>
        %dma_start3A_223 = tpu.memref_squeeze %dma_start3A_222 : memref<1x1x1x25x80xi32, #tpu.memory_space<hbm>> -> memref<25x80xi32, #tpu.memory_space<hbm>>
        %dma_start3A_224 = arith.constant 0 : i32
        %dma_start3A_225 = arith.constant 0 : i32
        %dma_start3A_226 = tpu.memref_slice %arg6[%sub3A_197, %dma_start3A_224, %dma_start3A_225] : memref<2x25x80xi32, #tpu.memory_space<vmem>> -> memref<1x25x80xi32, #tpu.memory_space<vmem>>
        %dma_start3A_227 = tpu.memref_squeeze %dma_start3A_226 : memref<1x25x80xi32, #tpu.memory_space<vmem>> -> memref<25x80xi32, #tpu.memory_space<vmem>>
        %dma_start3A_228 = arith.constant 0 : i32
        %dma_start3A_229 = arith.constant 0 : i32
        %dma_start3A_230 = tpu.memref_slice %arg3[%dma_start3A_215, %add3A, %add3A_196, %dma_start3A_228, %dma_start3A_229] : memref<2x32x5x25x80xi32, #tpu.memory_space<hbm>> -> memref<1x1x1x25x80xi32, #tpu.memory_space<hbm>>
        %dma_start3A_231 = tpu.memref_squeeze %dma_start3A_230 : memref<1x1x1x25x80xi32, #tpu.memory_space<hbm>> -> memref<25x80xi32, #tpu.memory_space<hbm>>
        tpu.enqueue_dma source(%dma_start3A_231 : memref<25x80xi32, #tpu.memory_space<hbm>>) target(%dma_start3A_227 : memref<25x80xi32, #tpu.memory_space<vmem>>) target_semaphore(%arg15 : memref<!tpu.dma_semaphore, #tpu.memory_space<semaphore_mem>>)
      } else {
      }
      %scan3A_132 = arith.constant 0 : i32
      %scan3A_133 = arith.constant 0 : i32
      %scan3A_134 = arith.constant 8 : i32
      %scan3A_135 = arith.addi %scan3A_133, %scan3A_134 : i32
      %scan3A_136 = arith.constant 1 : i32
      %scan3A_137 = scf.for %scan3A_195 = %scan3A_133 to %scan3A_135 step %scan3A_136 iter_args(%scan3A_196 = %scan3A_132) -> (i32)  : i32 {
        %mul3A_197 = arith.constant 3 : i32
        %mul3A_198 = arith.muli %mul3A_197, %scan3A_195 : i32
        %gt3A = arith.constant 0 : i32
        %gt3A_199 = arith.cmpi sgt, %scan3A_195, %gt3A : i32
        %convert_element_type3A_200 = arith.extui %gt3A_199 : i1 to i32
        %cond3A_201 = arith.constant 0 : i32
        %cond3A_202 = arith.cmpi ne, %convert_element_type3A_200, %cond3A_201 : i32
        scf.if %cond3A_202 {
          %sub3A = arith.constant 1 : i32
          %sub3A_335 = arith.subi %mul3A_198, %sub3A : i32
          %dma_wait3A_336 = arith.constant 2 : i32
          %dma_wait3A_337 = arith.constant 0 : i32
          %dma_wait3A_338 = arith.constant 0 : i32
          %dma_wait3A_339 = tpu.memref_slice %arg7[%dma_wait3A_336, %dma_wait3A_337, %dma_wait3A_338] : memref<3x80x128xf32, #tpu.memory_space<vmem>> -> memref<1x80x128xf32, #tpu.memory_space<vmem>>
          %dma_wait3A_340 = tpu.memref_squeeze %dma_wait3A_339 : memref<1x80x128xf32, #tpu.memory_space<vmem>> -> memref<80x128xf32, #tpu.memory_space<vmem>>
          %dma_wait3A_341 = arith.constant 0 : i32
          %dma_wait3A_342 = tpu.memref_slice %arg6[%rem3A_125, %sub3A_335, %dma_wait3A_341] : memref<2x25x80xi32, #tpu.memory_space<vmem>> -> memref<1x1x80xi32, #tpu.memory_space<vmem>>
          %dma_wait3A_343 = tpu.memref_squeeze %dma_wait3A_342 : memref<1x1x80xi32, #tpu.memory_space<vmem>> -> memref<80xi32, #tpu.memory_space<vmem>>
          %dma_wait3A_344 = arith.constant 0 : i32
          %dma_wait3A_345 = arith.constant 0 : i32
          %dma_wait3A_346 = tpu.memref_slice %arg8[%dma_wait3A_344, %dma_wait3A_345] : memref<10000x128xf32, #tpu.memory_space<vmem_shared>> -> memref<10000x128xf32, #tpu.memory_space<vmem_shared>>
          tpu.wait_indirect_dma semaphore(%arg14 : memref<!tpu.dma_semaphore, #tpu.memory_space<semaphore_mem>>) src(%dma_wait3A_340 : memref<80x128xf32, #tpu.memory_space<vmem>>) dst(%dma_wait3A_346 : memref<10000x128xf32, #tpu.memory_space<vmem_shared>>)
        } else {
        }
        %add3A_203 = arith.constant 2 : i32
        %add3A_204 = arith.addi %mul3A_198, %add3A_203 : i32
        %dma_start3A_205 = arith.constant 2 : i32
        %dma_start3A_206 = arith.constant 0 : i32
        %dma_start3A_207 = arith.constant 0 : i32
        %dma_start3A_208 = tpu.memref_slice %arg7[%dma_start3A_205, %dma_start3A_206, %dma_start3A_207] : memref<3x80x128xf32, #tpu.memory_space<vmem>> -> memref<1x80x128xf32, #tpu.memory_space<vmem>>
        %dma_start3A_209 = tpu.memref_squeeze %dma_start3A_208 : memref<1x80x128xf32, #tpu.memory_space<vmem>> -> memref<80x128xf32, #tpu.memory_space<vmem>>
        %dma_start3A_210 = arith.constant 0 : i32
        %dma_start3A_211 = tpu.memref_slice %arg5[%rem3A_125, %add3A_204, %dma_start3A_210] : memref<2x25x80xi32, #tpu.memory_space<vmem>> -> memref<1x1x80xi32, #tpu.memory_space<vmem>>
        %dma_start3A_212 = tpu.memref_squeeze %dma_start3A_211 : memref<1x1x80xi32, #tpu.memory_space<vmem>> -> memref<80xi32, #tpu.memory_space<vmem>>
        %dma_start3A_213 = arith.constant 0 : i32
        %dma_start3A_214 = arith.constant 0 : i32
        %dma_start3A_215 = tpu.memref_slice %arg2[%dma_start3A_213, %dma_start3A_214] : memref<10000x128xf32, #tpu.memory_space<hbm>> -> memref<10000x128xf32, #tpu.memory_space<hbm>>
        tpu.enqueue_indirect_dma source(%dma_start3A_215 : memref<10000x128xf32, #tpu.memory_space<hbm>>) target(%dma_start3A_209 : memref<80x128xf32, #tpu.memory_space<vmem>>) offsets(%dma_start3A_212 : memref<80xi32, #tpu.memory_space<vmem>>) semaphore(%arg11 : memref<!tpu.dma_semaphore, #tpu.memory_space<semaphore_mem>>)
        %dma_wait3A_216 = arith.constant 0 : i32
        %dma_wait3A_217 = arith.constant 0 : i32
        %dma_wait3A_218 = arith.constant 0 : i32
        %dma_wait3A_219 = tpu.memref_slice %arg7[%dma_wait3A_216, %dma_wait3A_217, %dma_wait3A_218] : memref<3x80x128xf32, #tpu.memory_space<vmem>> -> memref<1x80x128xf32, #tpu.memory_space<vmem>>
        %dma_wait3A_220 = tpu.memref_squeeze %dma_wait3A_219 : memref<1x80x128xf32, #tpu.memory_space<vmem>> -> memref<80x128xf32, #tpu.memory_space<vmem>>
        %dma_wait3A_221 = arith.constant 0 : i32
        %dma_wait3A_222 = tpu.memref_slice %arg5[%rem3A_125, %mul3A_198, %dma_wait3A_221] : memref<2x25x80xi32, #tpu.memory_space<vmem>> -> memref<1x1x80xi32, #tpu.memory_space<vmem>>
        %dma_wait3A_223 = tpu.memref_squeeze %dma_wait3A_222 : memref<1x1x80xi32, #tpu.memory_space<vmem>> -> memref<80xi32, #tpu.memory_space<vmem>>
        %dma_wait3A_224 = arith.constant 0 : i32
        %dma_wait3A_225 = arith.constant 0 : i32
        %dma_wait3A_226 = tpu.memref_slice %arg2[%dma_wait3A_224, %dma_wait3A_225] : memref<10000x128xf32, #tpu.memory_space<hbm>> -> memref<10000x128xf32, #tpu.memory_space<hbm>>
        tpu.wait_indirect_dma semaphore(%arg9 : memref<!tpu.dma_semaphore, #tpu.memory_space<semaphore_mem>>) src(%dma_wait3A_226 : memref<10000x128xf32, #tpu.memory_space<hbm>>) dst(%dma_wait3A_220 : memref<80x128xf32, #tpu.memory_space<vmem>>)
        %dma_start3A_227 = arith.constant 0 : i32
        %dma_start3A_228 = arith.constant 0 : i32
        %dma_start3A_229 = arith.constant 0 : i32
        %dma_start3A_230 = tpu.memref_slice %arg7[%dma_start3A_227, %dma_start3A_228, %dma_start3A_229] : memref<3x80x128xf32, #tpu.memory_space<vmem>> -> memref<1x80x128xf32, #tpu.memory_space<vmem>>
        %dma_start3A_231 = tpu.memref_squeeze %dma_start3A_230 : memref<1x80x128xf32, #tpu.memory_space<vmem>> -> memref<80x128xf32, #tpu.memory_space<vmem>>
        %dma_start3A_232 = arith.constant 0 : i32
        %dma_start3A_233 = tpu.memref_slice %arg6[%rem3A_125, %mul3A_198, %dma_start3A_232] : memref<2x25x80xi32, #tpu.memory_space<vmem>> -> memref<1x1x80xi32, #tpu.memory_space<vmem>>
        %dma_start3A_234 = tpu.memref_squeeze %dma_start3A_233 : memref<1x1x80xi32, #tpu.memory_space<vmem>> -> memref<80xi32, #tpu.memory_space<vmem>>
        %dma_start3A_235 = arith.constant 0 : i32
        %dma_start3A_236 = arith.constant 0 : i32
        %dma_start3A_237 = tpu.memref_slice %arg8[%dma_start3A_235, %dma_start3A_236] : memref<10000x128xf32, #tpu.memory_space<vmem_shared>> -> memref<10000x128xf32, #tpu.memory_space<vmem_shared>>
        tpu.enqueue_indirect_dma source(%dma_start3A_231 : memref<80x128xf32, #tpu.memory_space<vmem>>) target(%dma_start3A_237 : memref<10000x128xf32, #tpu.memory_space<vmem_shared>>) offsets(%dma_start3A_234 : memref<80xi32, #tpu.memory_space<vmem>>) semaphore(%arg12 : memref<!tpu.dma_semaphore, #tpu.memory_space<semaphore_mem>>) {add = true}
        %dma_wait3A_238 = arith.constant 0 : i32
        %dma_wait3A_239 = arith.constant 0 : i32
        %dma_wait3A_240 = arith.constant 0 : i32
        %dma_wait3A_241 = tpu.memref_slice %arg7[%dma_wait3A_238, %dma_wait3A_239, %dma_wait3A_240] : memref<3x80x128xf32, #tpu.memory_space<vmem>> -> memref<1x80x128xf32, #tpu.memory_space<vmem>>
        %dma_wait3A_242 = tpu.memref_squeeze %dma_wait3A_241 : memref<1x80x128xf32, #tpu.memory_space<vmem>> -> memref<80x128xf32, #tpu.memory_space<vmem>>
        %dma_wait3A_243 = arith.constant 0 : i32
        %dma_wait3A_244 = tpu.memref_slice %arg6[%rem3A_125, %mul3A_198, %dma_wait3A_243] : memref<2x25x80xi32, #tpu.memory_space<vmem>> -> memref<1x1x80xi32, #tpu.memory_space<vmem>>
        %dma_wait3A_245 = tpu.memref_squeeze %dma_wait3A_244 : memref<1x1x80xi32, #tpu.memory_space<vmem>> -> memref<80xi32, #tpu.memory_space<vmem>>
        %dma_wait3A_246 = arith.constant 0 : i32
        %dma_wait3A_247 = arith.constant 0 : i32
        %dma_wait3A_248 = tpu.memref_slice %arg8[%dma_wait3A_246, %dma_wait3A_247] : memref<10000x128xf32, #tpu.memory_space<vmem_shared>> -> memref<10000x128xf32, #tpu.memory_space<vmem_shared>>
        tpu.wait_indirect_dma semaphore(%arg12 : memref<!tpu.dma_semaphore, #tpu.memory_space<semaphore_mem>>) src(%dma_wait3A_242 : memref<80x128xf32, #tpu.memory_space<vmem>>) dst(%dma_wait3A_248 : memref<10000x128xf32, #tpu.memory_space<vmem_shared>>)
        %add3A_249 = arith.constant 3 : i32
        %add3A_250 = arith.addi %mul3A_198, %add3A_249 : i32
        %dma_start3A_251 = arith.constant 0 : i32
        %dma_start3A_252 = arith.constant 0 : i32
        %dma_start3A_253 = arith.constant 0 : i32
        %dma_start3A_254 = tpu.memref_slice %arg7[%dma_start3A_251, %dma_start3A_252, %dma_start3A_253] : memref<3x80x128xf32, #tpu.memory_space<vmem>> -> memref<1x80x128xf32, #tpu.memory_space<vmem>>
        %dma_start3A_255 = tpu.memref_squeeze %dma_start3A_254 : memref<1x80x128xf32, #tpu.memory_space<vmem>> -> memref<80x128xf32, #tpu.memory_space<vmem>>
        %dma_start3A_256 = arith.constant 0 : i32
        %dma_start3A_257 = tpu.memref_slice %arg5[%rem3A_125, %add3A_250, %dma_start3A_256] : memref<2x25x80xi32, #tpu.memory_space<vmem>> -> memref<1x1x80xi32, #tpu.memory_space<vmem>>
        %dma_start3A_258 = tpu.memref_squeeze %dma_start3A_257 : memref<1x1x80xi32, #tpu.memory_space<vmem>> -> memref<80xi32, #tpu.memory_space<vmem>>
        %dma_start3A_259 = arith.constant 0 : i32
        %dma_start3A_260 = arith.constant 0 : i32
        %dma_start3A_261 = tpu.memref_slice %arg2[%dma_start3A_259, %dma_start3A_260] : memref<10000x128xf32, #tpu.memory_space<hbm>> -> memref<10000x128xf32, #tpu.memory_space<hbm>>
        tpu.enqueue_indirect_dma source(%dma_start3A_261 : memref<10000x128xf32, #tpu.memory_space<hbm>>) target(%dma_start3A_255 : memref<80x128xf32, #tpu.memory_space<vmem>>) offsets(%dma_start3A_258 : memref<80xi32, #tpu.memory_space<vmem>>) semaphore(%arg9 : memref<!tpu.dma_semaphore, #tpu.memory_space<semaphore_mem>>)
        %add3A_262 = arith.constant 1 : i32
        %add3A_263 = arith.addi %mul3A_198, %add3A_262 : i32
        %dma_wait3A_264 = arith.constant 1 : i32
        %dma_wait3A_265 = arith.constant 0 : i32
        %dma_wait3A_266 = arith.constant 0 : i32
        %dma_wait3A_267 = tpu.memref_slice %arg7[%dma_wait3A_264, %dma_wait3A_265, %dma_wait3A_266] : memref<3x80x128xf32, #tpu.memory_space<vmem>> -> memref<1x80x128xf32, #tpu.memory_space<vmem>>
        %dma_wait3A_268 = tpu.memref_squeeze %dma_wait3A_267 : memref<1x80x128xf32, #tpu.memory_space<vmem>> -> memref<80x128xf32, #tpu.memory_space<vmem>>
        %dma_wait3A_269 = arith.constant 0 : i32
        %dma_wait3A_270 = tpu.memref_slice %arg5[%rem3A_125, %add3A_263, %dma_wait3A_269] : memref<2x25x80xi32, #tpu.memory_space<vmem>> -> memref<1x1x80xi32, #tpu.memory_space<vmem>>
        %dma_wait3A_271 = tpu.memref_squeeze %dma_wait3A_270 : memref<1x1x80xi32, #tpu.memory_space<vmem>> -> memref<80xi32, #tpu.memory_space<vmem>>
        %dma_wait3A_272 = arith.constant 0 : i32
        %dma_wait3A_273 = arith.constant 0 : i32
        %dma_wait3A_274 = tpu.memref_slice %arg2[%dma_wait3A_272, %dma_wait3A_273] : memref<10000x128xf32, #tpu.memory_space<hbm>> -> memref<10000x128xf32, #tpu.memory_space<hbm>>
        tpu.wait_indirect_dma semaphore(%arg10 : memref<!tpu.dma_semaphore, #tpu.memory_space<semaphore_mem>>) src(%dma_wait3A_274 : memref<10000x128xf32, #tpu.memory_space<hbm>>) dst(%dma_wait3A_268 : memref<80x128xf32, #tpu.memory_space<vmem>>)
        %add3A_275 = arith.constant 1 : i32
        %add3A_276 = arith.addi %mul3A_198, %add3A_275 : i32
        %dma_start3A_277 = arith.constant 1 : i32
        %dma_start3A_278 = arith.constant 0 : i32
        %dma_start3A_279 = arith.constant 0 : i32
        %dma_start3A_280 = tpu.memref_slice %arg7[%dma_start3A_277, %dma_start3A_278, %dma_start3A_279] : memref<3x80x128xf32, #tpu.memory_space<vmem>> -> memref<1x80x128xf32, #tpu.memory_space<vmem>>
        %dma_start3A_281 = tpu.memref_squeeze %dma_start3A_280 : memref<1x80x128xf32, #tpu.memory_space<vmem>> -> memref<80x128xf32, #tpu.memory_space<vmem>>
        %dma_start3A_282 = arith.constant 0 : i32
        %dma_start3A_283 = tpu.memref_slice %arg6[%rem3A_125, %add3A_276, %dma_start3A_282] : memref<2x25x80xi32, #tpu.memory_space<vmem>> -> memref<1x1x80xi32, #tpu.memory_space<vmem>>
        %dma_start3A_284 = tpu.memref_squeeze %dma_start3A_283 : memref<1x1x80xi32, #tpu.memory_space<vmem>> -> memref<80xi32, #tpu.memory_space<vmem>>
        %dma_start3A_285 = arith.constant 0 : i32
        %dma_start3A_286 = arith.constant 0 : i32
        %dma_start3A_287 = tpu.memref_slice %arg8[%dma_start3A_285, %dma_start3A_286] : memref<10000x128xf32, #tpu.memory_space<vmem_shared>> -> memref<10000x128xf32, #tpu.memory_space<vmem_shared>>
        tpu.enqueue_indirect_dma source(%dma_start3A_281 : memref<80x128xf32, #tpu.memory_space<vmem>>) target(%dma_start3A_287 : memref<10000x128xf32, #tpu.memory_space<vmem_shared>>) offsets(%dma_start3A_284 : memref<80xi32, #tpu.memory_space<vmem>>) semaphore(%arg13 : memref<!tpu.dma_semaphore, #tpu.memory_space<semaphore_mem>>) {add = true}
        %add3A_288 = arith.constant 1 : i32
        %add3A_289 = arith.addi %mul3A_198, %add3A_288 : i32
        %dma_wait3A_290 = arith.constant 1 : i32
        %dma_wait3A_291 = arith.constant 0 : i32
        %dma_wait3A_292 = arith.constant 0 : i32
        %dma_wait3A_293 = tpu.memref_slice %arg7[%dma_wait3A_290, %dma_wait3A_291, %dma_wait3A_292] : memref<3x80x128xf32, #tpu.memory_space<vmem>> -> memref<1x80x128xf32, #tpu.memory_space<vmem>>
        %dma_wait3A_294 = tpu.memref_squeeze %dma_wait3A_293 : memref<1x80x128xf32, #tpu.memory_space<vmem>> -> memref<80x128xf32, #tpu.memory_space<vmem>>
        %dma_wait3A_295 = arith.constant 0 : i32
        %dma_wait3A_296 = tpu.memref_slice %arg6[%rem3A_125, %add3A_289, %dma_wait3A_295] : memref<2x25x80xi32, #tpu.memory_space<vmem>> -> memref<1x1x80xi32, #tpu.memory_space<vmem>>
        %dma_wait3A_297 = tpu.memref_squeeze %dma_wait3A_296 : memref<1x1x80xi32, #tpu.memory_space<vmem>> -> memref<80xi32, #tpu.memory_space<vmem>>
        %dma_wait3A_298 = arith.constant 0 : i32
        %dma_wait3A_299 = arith.constant 0 : i32
        %dma_wait3A_300 = tpu.memref_slice %arg8[%dma_wait3A_298, %dma_wait3A_299] : memref<10000x128xf32, #tpu.memory_space<vmem_shared>> -> memref<10000x128xf32, #tpu.memory_space<vmem_shared>>
        tpu.wait_indirect_dma semaphore(%arg13 : memref<!tpu.dma_semaphore, #tpu.memory_space<semaphore_mem>>) src(%dma_wait3A_294 : memref<80x128xf32, #tpu.memory_space<vmem>>) dst(%dma_wait3A_300 : memref<10000x128xf32, #tpu.memory_space<vmem_shared>>)
        %add3A_301 = arith.constant 4 : i32
        %add3A_302 = arith.addi %mul3A_198, %add3A_301 : i32
        %lt3A_303 = arith.constant 25 : i32
        %lt3A_304 = arith.cmpi slt, %add3A_302, %lt3A_303 : i32
        %convert_element_type3A_305 = arith.extui %lt3A_304 : i1 to i32
        %cond3A_306 = arith.constant 0 : i32
        %cond3A_307 = arith.cmpi ne, %convert_element_type3A_305, %cond3A_306 : i32
        scf.if %cond3A_307 {
          %add3A_335 = arith.constant 4 : i32
          %add3A_336 = arith.addi %mul3A_198, %add3A_335 : i32
          %dma_start3A_337 = arith.constant 1 : i32
          %dma_start3A_338 = arith.constant 0 : i32
          %dma_start3A_339 = arith.constant 0 : i32
          %dma_start3A_340 = tpu.memref_slice %arg7[%dma_start3A_337, %dma_start3A_338, %dma_start3A_339] : memref<3x80x128xf32, #tpu.memory_space<vmem>> -> memref<1x80x128xf32, #tpu.memory_space<vmem>>
          %dma_start3A_341 = tpu.memref_squeeze %dma_start3A_340 : memref<1x80x128xf32, #tpu.memory_space<vmem>> -> memref<80x128xf32, #tpu.memory_space<vmem>>
          %dma_start3A_342 = arith.constant 0 : i32
          %dma_start3A_343 = tpu.memref_slice %arg5[%rem3A_125, %add3A_336, %dma_start3A_342] : memref<2x25x80xi32, #tpu.memory_space<vmem>> -> memref<1x1x80xi32, #tpu.memory_space<vmem>>
          %dma_start3A_344 = tpu.memref_squeeze %dma_start3A_343 : memref<1x1x80xi32, #tpu.memory_space<vmem>> -> memref<80xi32, #tpu.memory_space<vmem>>
          %dma_start3A_345 = arith.constant 0 : i32
          %dma_start3A_346 = arith.constant 0 : i32
          %dma_start3A_347 = tpu.memref_slice %arg2[%dma_start3A_345, %dma_start3A_346] : memref<10000x128xf32, #tpu.memory_space<hbm>> -> memref<10000x128xf32, #tpu.memory_space<hbm>>
          tpu.enqueue_indirect_dma source(%dma_start3A_347 : memref<10000x128xf32, #tpu.memory_space<hbm>>) target(%dma_start3A_341 : memref<80x128xf32, #tpu.memory_space<vmem>>) offsets(%dma_start3A_344 : memref<80xi32, #tpu.memory_space<vmem>>) semaphore(%arg10 : memref<!tpu.dma_semaphore, #tpu.memory_space<semaphore_mem>>)
        } else {
        }
        %add3A_308 = arith.constant 2 : i32
        %add3A_309 = arith.addi %mul3A_198, %add3A_308 : i32
        %dma_wait3A_310 = arith.constant 2 : i32
        %dma_wait3A_311 = arith.constant 0 : i32
        %dma_wait3A_312 = arith.constant 0 : i32
        %dma_wait3A_313 = tpu.memref_slice %arg7[%dma_wait3A_310, %dma_wait3A_311, %dma_wait3A_312] : memref<3x80x128xf32, #tpu.memory_space<vmem>> -> memref<1x80x128xf32, #tpu.memory_space<vmem>>
        %dma_wait3A_314 = tpu.memref_squeeze %dma_wait3A_313 : memref<1x80x128xf32, #tpu.memory_space<vmem>> -> memref<80x128xf32, #tpu.memory_space<vmem>>
        %dma_wait3A_315 = arith.constant 0 : i32
        %dma_wait3A_316 = tpu.memref_slice %arg5[%rem3A_125, %add3A_309, %dma_wait3A_315] : memref<2x25x80xi32, #tpu.memory_space<vmem>> -> memref<1x1x80xi32, #tpu.memory_space<vmem>>
        %dma_wait3A_317 = tpu.memref_squeeze %dma_wait3A_316 : memref<1x1x80xi32, #tpu.memory_space<vmem>> -> memref<80xi32, #tpu.memory_space<vmem>>
        %dma_wait3A_318 = arith.constant 0 : i32
        %dma_wait3A_319 = arith.constant 0 : i32
        %dma_wait3A_320 = tpu.memref_slice %arg2[%dma_wait3A_318, %dma_wait3A_319] : memref<10000x128xf32, #tpu.memory_space<hbm>> -> memref<10000x128xf32, #tpu.memory_space<hbm>>
        tpu.wait_indirect_dma semaphore(%arg11 : memref<!tpu.dma_semaphore, #tpu.memory_space<semaphore_mem>>) src(%dma_wait3A_320 : memref<10000x128xf32, #tpu.memory_space<hbm>>) dst(%dma_wait3A_314 : memref<80x128xf32, #tpu.memory_space<vmem>>)
        %add3A_321 = arith.constant 2 : i32
        %add3A_322 = arith.addi %mul3A_198, %add3A_321 : i32
        %dma_start3A_323 = arith.constant 2 : i32
        %dma_start3A_324 = arith.constant 0 : i32
        %dma_start3A_325 = arith.constant 0 : i32
        %dma_start3A_326 = tpu.memref_slice %arg7[%dma_start3A_323, %dma_start3A_324, %dma_start3A_325] : memref<3x80x128xf32, #tpu.memory_space<vmem>> -> memref<1x80x128xf32, #tpu.memory_space<vmem>>
        %dma_start3A_327 = tpu.memref_squeeze %dma_start3A_326 : memref<1x80x128xf32, #tpu.memory_space<vmem>> -> memref<80x128xf32, #tpu.memory_space<vmem>>
        %dma_start3A_328 = arith.constant 0 : i32
        %dma_start3A_329 = tpu.memref_slice %arg6[%rem3A_125, %add3A_322, %dma_start3A_328] : memref<2x25x80xi32, #tpu.memory_space<vmem>> -> memref<1x1x80xi32, #tpu.memory_space<vmem>>
        %dma_start3A_330 = tpu.memref_squeeze %dma_start3A_329 : memref<1x1x80xi32, #tpu.memory_space<vmem>> -> memref<80xi32, #tpu.memory_space<vmem>>
        %dma_start3A_331 = arith.constant 0 : i32
        %dma_start3A_332 = arith.constant 0 : i32
        %dma_start3A_333 = tpu.memref_slice %arg8[%dma_start3A_331, %dma_start3A_332] : memref<10000x128xf32, #tpu.memory_space<vmem_shared>> -> memref<10000x128xf32, #tpu.memory_space<vmem_shared>>
        tpu.enqueue_indirect_dma source(%dma_start3A_327 : memref<80x128xf32, #tpu.memory_space<vmem>>) target(%dma_start3A_333 : memref<10000x128xf32, #tpu.memory_space<vmem_shared>>) offsets(%dma_start3A_330 : memref<80xi32, #tpu.memory_space<vmem>>) semaphore(%arg14 : memref<!tpu.dma_semaphore, #tpu.memory_space<semaphore_mem>>) {add = true}
        %scan3A_334 = arith.constant 0 : i32
        scf.yield %scan3A_334 : i32
      }
      %scan3A_138 = arith.constant 8 : i32
      %dma_wait3A_139 = arith.constant 2 : i32
      %dma_wait3A_140 = arith.constant 23 : i32
      %dma_wait3A_141 = arith.constant 0 : i32
      %dma_wait3A_142 = arith.constant 0 : i32
      %dma_wait3A_143 = tpu.memref_slice %arg7[%dma_wait3A_139, %dma_wait3A_141, %dma_wait3A_142] : memref<3x80x128xf32, #tpu.memory_space<vmem>> -> memref<1x80x128xf32, #tpu.memory_space<vmem>>
      %dma_wait3A_144 = tpu.memref_squeeze %dma_wait3A_143 : memref<1x80x128xf32, #tpu.memory_space<vmem>> -> memref<80x128xf32, #tpu.memory_space<vmem>>
      %dma_wait3A_145 = arith.constant 0 : i32
      %dma_wait3A_146 = tpu.memref_slice %arg6[%rem3A_125, %dma_wait3A_140, %dma_wait3A_145] : memref<2x25x80xi32, #tpu.memory_space<vmem>> -> memref<1x1x80xi32, #tpu.memory_space<vmem>>
      %dma_wait3A_147 = tpu.memref_squeeze %dma_wait3A_146 : memref<1x1x80xi32, #tpu.memory_space<vmem>> -> memref<80xi32, #tpu.memory_space<vmem>>
      %dma_wait3A_148 = arith.constant 0 : i32
      %dma_wait3A_149 = arith.constant 0 : i32
      %dma_wait3A_150 = tpu.memref_slice %arg8[%dma_wait3A_148, %dma_wait3A_149] : memref<10000x128xf32, #tpu.memory_space<vmem_shared>> -> memref<10000x128xf32, #tpu.memory_space<vmem_shared>>
      tpu.wait_indirect_dma semaphore(%arg14 : memref<!tpu.dma_semaphore, #tpu.memory_space<semaphore_mem>>) src(%dma_wait3A_144 : memref<80x128xf32, #tpu.memory_space<vmem>>) dst(%dma_wait3A_150 : memref<10000x128xf32, #tpu.memory_space<vmem_shared>>)
      %dma_wait3A_151 = arith.constant 24 : i32
      %dma_wait3A_152 = arith.constant 0 : i32
      %dma_wait3A_153 = arith.constant 0 : i32
      %dma_wait3A_154 = arith.constant 0 : i32
      %dma_wait3A_155 = tpu.memref_slice %arg7[%dma_wait3A_152, %dma_wait3A_153, %dma_wait3A_154] : memref<3x80x128xf32, #tpu.memory_space<vmem>> -> memref<1x80x128xf32, #tpu.memory_space<vmem>>
      %dma_wait3A_156 = tpu.memref_squeeze %dma_wait3A_155 : memref<1x80x128xf32, #tpu.memory_space<vmem>> -> memref<80x128xf32, #tpu.memory_space<vmem>>
      %dma_wait3A_157 = arith.constant 0 : i32
      %dma_wait3A_158 = tpu.memref_slice %arg5[%rem3A_125, %dma_wait3A_151, %dma_wait3A_157] : memref<2x25x80xi32, #tpu.memory_space<vmem>> -> memref<1x1x80xi32, #tpu.memory_space<vmem>>
      %dma_wait3A_159 = tpu.memref_squeeze %dma_wait3A_158 : memref<1x1x80xi32, #tpu.memory_space<vmem>> -> memref<80xi32, #tpu.memory_space<vmem>>
      %dma_wait3A_160 = arith.constant 0 : i32
      %dma_wait3A_161 = arith.constant 0 : i32
      %dma_wait3A_162 = tpu.memref_slice %arg2[%dma_wait3A_160, %dma_wait3A_161] : memref<10000x128xf32, #tpu.memory_space<hbm>> -> memref<10000x128xf32, #tpu.memory_space<hbm>>
      tpu.wait_indirect_dma semaphore(%arg9 : memref<!tpu.dma_semaphore, #tpu.memory_space<semaphore_mem>>) src(%dma_wait3A_162 : memref<10000x128xf32, #tpu.memory_space<hbm>>) dst(%dma_wait3A_156 : memref<80x128xf32, #tpu.memory_space<vmem>>)
      %dma_start3A_163 = arith.constant 0 : i32
      %dma_start3A_164 = arith.constant 24 : i32
      %dma_start3A_165 = arith.constant 0 : i32
      %dma_start3A_166 = arith.constant 0 : i32
      %dma_start3A_167 = tpu.memref_slice %arg7[%dma_start3A_163, %dma_start3A_165, %dma_start3A_166] : memref<3x80x128xf32, #tpu.memory_space<vmem>> -> memref<1x80x128xf32, #tpu.memory_space<vmem>>
      %dma_start3A_168 = tpu.memref_squeeze %dma_start3A_167 : memref<1x80x128xf32, #tpu.memory_space<vmem>> -> memref<80x128xf32, #tpu.memory_space<vmem>>
      %dma_start3A_169 = arith.constant 0 : i32
      %dma_start3A_170 = tpu.memref_slice %arg6[%rem3A_125, %dma_start3A_164, %dma_start3A_169] : memref<2x25x80xi32, #tpu.memory_space<vmem>> -> memref<1x1x80xi32, #tpu.memory_space<vmem>>
      %dma_start3A_171 = tpu.memref_squeeze %dma_start3A_170 : memref<1x1x80xi32, #tpu.memory_space<vmem>> -> memref<80xi32, #tpu.memory_space<vmem>>
      %dma_start3A_172 = arith.constant 0 : i32
      %dma_start3A_173 = arith.constant 0 : i32
      %dma_start3A_174 = tpu.memref_slice %arg8[%dma_start3A_172, %dma_start3A_173] : memref<10000x128xf32, #tpu.memory_space<vmem_shared>> -> memref<10000x128xf32, #tpu.memory_space<vmem_shared>>
      tpu.enqueue_indirect_dma source(%dma_start3A_168 : memref<80x128xf32, #tpu.memory_space<vmem>>) target(%dma_start3A_174 : memref<10000x128xf32, #tpu.memory_space<vmem_shared>>) offsets(%dma_start3A_171 : memref<80xi32, #tpu.memory_space<vmem>>) semaphore(%arg12 : memref<!tpu.dma_semaphore, #tpu.memory_space<semaphore_mem>>) {add = true}
      %dma_wait3A_175 = arith.constant 0 : i32
      %dma_wait3A_176 = arith.constant 24 : i32
      %dma_wait3A_177 = arith.constant 0 : i32
      %dma_wait3A_178 = arith.constant 0 : i32
      %dma_wait3A_179 = tpu.memref_slice %arg7[%dma_wait3A_175, %dma_wait3A_177, %dma_wait3A_178] : memref<3x80x128xf32, #tpu.memory_space<vmem>> -> memref<1x80x128xf32, #tpu.memory_space<vmem>>
      %dma_wait3A_180 = tpu.memref_squeeze %dma_wait3A_179 : memref<1x80x128xf32, #tpu.memory_space<vmem>> -> memref<80x128xf32, #tpu.memory_space<vmem>>
      %dma_wait3A_181 = arith.constant 0 : i32
      %dma_wait3A_182 = tpu.memref_slice %arg6[%rem3A_125, %dma_wait3A_176, %dma_wait3A_181] : memref<2x25x80xi32, #tpu.memory_space<vmem>> -> memref<1x1x80xi32, #tpu.memory_space<vmem>>
      %dma_wait3A_183 = tpu.memref_squeeze %dma_wait3A_182 : memref<1x1x80xi32, #tpu.memory_space<vmem>> -> memref<80xi32, #tpu.memory_space<vmem>>
      %dma_wait3A_184 = arith.constant 0 : i32
      %dma_wait3A_185 = arith.constant 0 : i32
      %dma_wait3A_186 = tpu.memref_slice %arg8[%dma_wait3A_184, %dma_wait3A_185] : memref<10000x128xf32, #tpu.memory_space<vmem_shared>> -> memref<10000x128xf32, #tpu.memory_space<vmem_shared>>
      tpu.wait_indirect_dma semaphore(%arg12 : memref<!tpu.dma_semaphore, #tpu.memory_space<semaphore_mem>>) src(%dma_wait3A_180 : memref<80x128xf32, #tpu.memory_space<vmem>>) dst(%dma_wait3A_186 : memref<10000x128xf32, #tpu.memory_space<vmem_shared>>)
      %add3A_187 = arith.constant 1 : i32
      %add3A_188 = arith.addi %scan3A_123, %add3A_187 : i32
      %lt3A_189 = arith.constant 5 : i32
      %lt3A_190 = arith.cmpi slt, %add3A_188, %lt3A_189 : i32
      %convert_element_type3A_191 = arith.extui %lt3A_190 : i1 to i32
      %cond3A_192 = arith.constant 0 : i32
      %cond3A_193 = arith.cmpi ne, %convert_element_type3A_191, %cond3A_192 : i32
      scf.if %cond3A_193 {
        %add3A_195 = arith.constant 1 : i32
        %add3A_196 = arith.addi %scan3A_123, %add3A_195 : i32
        %sub3A = arith.constant 1 : i32
        %sub3A_197 = arith.subi %sub3A, %rem3A_125 : i32
        %dma_wait3A_198 = arith.constant 0 : i32
        %dma_wait3A_199 = arith.constant 0 : i32
        %dma_wait3A_200 = arith.constant 0 : i32
        %dma_wait3A_201 = tpu.memref_slice %arg5[%sub3A_197, %dma_wait3A_199, %dma_wait3A_200] : memref<2x25x80xi32, #tpu.memory_space<vmem>> -> memref<1x25x80xi32, #tpu.memory_space<vmem>>
        %dma_wait3A_202 = tpu.memref_squeeze %dma_wait3A_201 : memref<1x25x80xi32, #tpu.memory_space<vmem>> -> memref<25x80xi32, #tpu.memory_space<vmem>>
        %dma_wait3A_203 = arith.constant 0 : i32
        %dma_wait3A_204 = arith.constant 0 : i32
        %dma_wait3A_205 = tpu.memref_slice %arg3[%dma_wait3A_198, %add3A, %add3A_196, %dma_wait3A_203, %dma_wait3A_204] : memref<2x32x5x25x80xi32, #tpu.memory_space<hbm>> -> memref<1x1x1x25x80xi32, #tpu.memory_space<hbm>>
        %dma_wait3A_206 = tpu.memref_squeeze %dma_wait3A_205 : memref<1x1x1x25x80xi32, #tpu.memory_space<hbm>> -> memref<25x80xi32, #tpu.memory_space<hbm>>
        %dma_wait3A_207 = arith.constant 0 : i32
        %dma_wait3A_208 = arith.constant 0 : i32
        %dma_wait3A_209 = tpu.memref_slice %arg5[%sub3A_197, %dma_wait3A_207, %dma_wait3A_208] : memref<2x25x80xi32, #tpu.memory_space<vmem>> -> memref<1x25x80xi32, #tpu.memory_space<vmem>>
        %dma_wait3A_210 = tpu.memref_squeeze %dma_wait3A_209 : memref<1x25x80xi32, #tpu.memory_space<vmem>> -> memref<25x80xi32, #tpu.memory_space<vmem>>
        %dma_wait3A_211 = arith.constant 0 : i32
        %dma_wait3A_212 = arith.constant 0 : i32
        %dma_wait3A_213 = tpu.memref_slice %arg3[%dma_wait3A_198, %add3A, %add3A_196, %dma_wait3A_211, %dma_wait3A_212] : memref<2x32x5x25x80xi32, #tpu.memory_space<hbm>> -> memref<1x1x1x25x80xi32, #tpu.memory_space<hbm>>
        %dma_wait3A_214 = tpu.memref_squeeze %dma_wait3A_213 : memref<1x1x1x25x80xi32, #tpu.memory_space<hbm>> -> memref<25x80xi32, #tpu.memory_space<hbm>>
        tpu.wait_dma2 semaphore(%arg15 : memref<!tpu.dma_semaphore, #tpu.memory_space<semaphore_mem>>) src(%dma_wait3A_214 : memref<25x80xi32, #tpu.memory_space<hbm>>) dst(%dma_wait3A_210 : memref<25x80xi32, #tpu.memory_space<vmem>>)
        %dma_wait3A_215 = arith.constant 1 : i32
        %dma_wait3A_216 = arith.constant 0 : i32
        %dma_wait3A_217 = arith.constant 0 : i32
        %dma_wait3A_218 = tpu.memref_slice %arg6[%sub3A_197, %dma_wait3A_216, %dma_wait3A_217] : memref<2x25x80xi32, #tpu.memory_space<vmem>> -> memref<1x25x80xi32, #tpu.memory_space<vmem>>
        %dma_wait3A_219 = tpu.memref_squeeze %dma_wait3A_218 : memref<1x25x80xi32, #tpu.memory_space<vmem>> -> memref<25x80xi32, #tpu.memory_space<vmem>>
        %dma_wait3A_220 = arith.constant 0 : i32
        %dma_wait3A_221 = arith.constant 0 : i32
        %dma_wait3A_222 = tpu.memref_slice %arg3[%dma_wait3A_215, %add3A, %add3A_196, %dma_wait3A_220, %dma_wait3A_221] : memref<2x32x5x25x80xi32, #tpu.memory_space<hbm>> -> memref<1x1x1x25x80xi32, #tpu.memory_space<hbm>>
        %dma_wait3A_223 = tpu.memref_squeeze %dma_wait3A_222 : memref<1x1x1x25x80xi32, #tpu.memory_space<hbm>> -> memref<25x80xi32, #tpu.memory_space<hbm>>
        %dma_wait3A_224 = arith.constant 0 : i32
        %dma_wait3A_225 = arith.constant 0 : i32
        %dma_wait3A_226 = tpu.memref_slice %arg6[%sub3A_197, %dma_wait3A_224, %dma_wait3A_225] : memref<2x25x80xi32, #tpu.memory_space<vmem>> -> memref<1x25x80xi32, #tpu.memory_space<vmem>>
        %dma_wait3A_227 = tpu.memref_squeeze %dma_wait3A_226 : memref<1x25x80xi32, #tpu.memory_space<vmem>> -> memref<25x80xi32, #tpu.memory_space<vmem>>
        %dma_wait3A_228 = arith.constant 0 : i32
        %dma_wait3A_229 = arith.constant 0 : i32
        %dma_wait3A_230 = tpu.memref_slice %arg3[%dma_wait3A_215, %add3A, %add3A_196, %dma_wait3A_228, %dma_wait3A_229] : memref<2x32x5x25x80xi32, #tpu.memory_space<hbm>> -> memref<1x1x1x25x80xi32, #tpu.memory_space<hbm>>
        %dma_wait3A_231 = tpu.memref_squeeze %dma_wait3A_230 : memref<1x1x1x25x80xi32, #tpu.memory_space<hbm>> -> memref<25x80xi32, #tpu.memory_space<hbm>>
        tpu.wait_dma2 semaphore(%arg15 : memref<!tpu.dma_semaphore, #tpu.memory_space<semaphore_mem>>) src(%dma_wait3A_231 : memref<25x80xi32, #tpu.memory_space<hbm>>) dst(%dma_wait3A_227 : memref<25x80xi32, #tpu.memory_space<vmem>>)
        %sub3A_232 = arith.constant 1 : i32
        %sub3A_233 = arith.subi %sub3A_232, %rem3A_125 : i32
        %dma_start3A_234 = arith.constant 0 : i32
        %dma_start3A_235 = arith.constant 0 : i32
        %dma_start3A_236 = arith.constant 0 : i32
        %dma_start3A_237 = arith.constant 0 : i32
        %dma_start3A_238 = tpu.memref_slice %arg7[%dma_start3A_235, %dma_start3A_236, %dma_start3A_237] : memref<3x80x128xf32, #tpu.memory_space<vmem>> -> memref<1x80x128xf32, #tpu.memory_space<vmem>>
        %dma_start3A_239 = tpu.memref_squeeze %dma_start3A_238 : memref<1x80x128xf32, #tpu.memory_space<vmem>> -> memref<80x128xf32, #tpu.memory_space<vmem>>
        %dma_start3A_240 = arith.constant 0 : i32
        %dma_start3A_241 = tpu.memref_slice %arg5[%sub3A_233, %dma_start3A_234, %dma_start3A_240] : memref<2x25x80xi32, #tpu.memory_space<vmem>> -> memref<1x1x80xi32, #tpu.memory_space<vmem>>
        %dma_start3A_242 = tpu.memref_squeeze %dma_start3A_241 : memref<1x1x80xi32, #tpu.memory_space<vmem>> -> memref<80xi32, #tpu.memory_space<vmem>>
        %dma_start3A_243 = arith.constant 0 : i32
        %dma_start3A_244 = arith.constant 0 : i32
        %dma_start3A_245 = tpu.memref_slice %arg2[%dma_start3A_243, %dma_start3A_244] : memref<10000x128xf32, #tpu.memory_space<hbm>> -> memref<10000x128xf32, #tpu.memory_space<hbm>>
        tpu.enqueue_indirect_dma source(%dma_start3A_245 : memref<10000x128xf32, #tpu.memory_space<hbm>>) target(%dma_start3A_239 : memref<80x128xf32, #tpu.memory_space<vmem>>) offsets(%dma_start3A_242 : memref<80xi32, #tpu.memory_space<vmem>>) semaphore(%arg9 : memref<!tpu.dma_semaphore, #tpu.memory_space<semaphore_mem>>)
        %sub3A_246 = arith.constant 1 : i32
        %sub3A_247 = arith.subi %sub3A_246, %rem3A_125 : i32
        %dma_start3A_248 = arith.constant 1 : i32
        %dma_start3A_249 = arith.constant 1 : i32
        %dma_start3A_250 = arith.constant 0 : i32
        %dma_start3A_251 = arith.constant 0 : i32
        %dma_start3A_252 = tpu.memref_slice %arg7[%dma_start3A_249, %dma_start3A_250, %dma_start3A_251] : memref<3x80x128xf32, #tpu.memory_space<vmem>> -> memref<1x80x128xf32, #tpu.memory_space<vmem>>
        %dma_start3A_253 = tpu.memref_squeeze %dma_start3A_252 : memref<1x80x128xf32, #tpu.memory_space<vmem>> -> memref<80x128xf32, #tpu.memory_space<vmem>>
        %dma_start3A_254 = arith.constant 0 : i32
        %dma_start3A_255 = tpu.memref_slice %arg5[%sub3A_247, %dma_start3A_248, %dma_start3A_254] : memref<2x25x80xi32, #tpu.memory_space<vmem>> -> memref<1x1x80xi32, #tpu.memory_space<vmem>>
        %dma_start3A_256 = tpu.memref_squeeze %dma_start3A_255 : memref<1x1x80xi32, #tpu.memory_space<vmem>> -> memref<80xi32, #tpu.memory_space<vmem>>
        %dma_start3A_257 = arith.constant 0 : i32
        %dma_start3A_258 = arith.constant 0 : i32
        %dma_start3A_259 = tpu.memref_slice %arg2[%dma_start3A_257, %dma_start3A_258] : memref<10000x128xf32, #tpu.memory_space<hbm>> -> memref<10000x128xf32, #tpu.memory_space<hbm>>
        tpu.enqueue_indirect_dma source(%dma_start3A_259 : memref<10000x128xf32, #tpu.memory_space<hbm>>) target(%dma_start3A_253 : memref<80x128xf32, #tpu.memory_space<vmem>>) offsets(%dma_start3A_256 : memref<80xi32, #tpu.memory_space<vmem>>) semaphore(%arg10 : memref<!tpu.dma_semaphore, #tpu.memory_space<semaphore_mem>>)
      } else {
      }
      %scan3A_194 = arith.constant 0 : i32
      scf.yield %scan3A_194 : i32
    }
    %scan3A_112 = arith.constant 5 : i32
    %barrier3A_113 = arith.constant 0 : index
    tpu.barrier barrier_id(%barrier3A_113)
    %mul3A_114 = arith.constant 624 : i32
    %mul3A_115 = arith.muli %arg1, %mul3A_114 : i32
    %mul3A_116 = arith.constant 624 : i32
    %mul3A_117 = arith.muli %arg1, %mul3A_116 : i32
    "tpu.region"() ({
      %run_scoped3A = tpu.sem_alloc : memref<!tpu.dma_semaphore, #tpu.memory_space<semaphore_mem>>
      %dma_start3A_123 = arith.constant 0 : i32
      %dma_start3A_124 = tpu.memref_slice %arg4[%arg0, %mul3A_117, %dma_start3A_123] : memref<2x10000x128xf32, #tpu.memory_space<hbm>> -> memref<1x624x128xf32, #tpu.memory_space<hbm>>
      %dma_start3A_125 = tpu.memref_squeeze %dma_start3A_124 : memref<1x624x128xf32, #tpu.memory_space<hbm>> -> memref<624x128xf32, #tpu.memory_space<hbm>>
      %dma_start3A_126 = arith.constant 0 : i32
      %dma_start3A_127 = tpu.memref_slice %arg8[%mul3A_115, %dma_start3A_126] : memref<10000x128xf32, #tpu.memory_space<vmem_shared>> -> memref<624x128xf32, #tpu.memory_space<vmem_shared>>
      tpu.enqueue_dma source(%dma_start3A_127 : memref<624x128xf32, #tpu.memory_space<vmem_shared>>) target(%dma_start3A_125 : memref<624x128xf32, #tpu.memory_space<hbm>>) target_semaphore(%run_scoped3A : memref<!tpu.dma_semaphore, #tpu.memory_space<semaphore_mem>>)
      %dma_wait3A_128 = arith.constant 0 : i32
      %dma_wait3A_129 = tpu.memref_slice %arg4[%arg0, %mul3A_117, %dma_wait3A_128] : memref<2x10000x128xf32, #tpu.memory_space<hbm>> -> memref<1x624x128xf32, #tpu.memory_space<hbm>>
      %dma_wait3A_130 = tpu.memref_squeeze %dma_wait3A_129 : memref<1x624x128xf32, #tpu.memory_space<hbm>> -> memref<624x128xf32, #tpu.memory_space<hbm>>
      %dma_wait3A_131 = arith.constant 0 : i32
      %dma_wait3A_132 = tpu.memref_slice %arg8[%mul3A_115, %dma_wait3A_131] : memref<10000x128xf32, #tpu.memory_space<vmem_shared>> -> memref<624x128xf32, #tpu.memory_space<vmem_shared>>
      tpu.wait_dma2 semaphore(%run_scoped3A : memref<!tpu.dma_semaphore, #tpu.memory_space<semaphore_mem>>) src(%dma_wait3A_132 : memref<624x128xf32, #tpu.memory_space<vmem_shared>>) dst(%dma_wait3A_130 : memref<624x128xf32, #tpu.memory_space<hbm>>)
      tpu.yield
    }) : () -> ()
    %eq3A_118 = arith.constant 0 : i32
    %eq3A_119 = arith.cmpi eq, %arg1, %eq3A_118 : i32
    %convert_element_type3A_120 = arith.extui %eq3A_119 : i1 to i32
    %cond3A_121 = arith.constant 0 : i32
    %cond3A_122 = arith.cmpi ne, %convert_element_type3A_120, %cond3A_121 : i32
    scf.if %cond3A_122 {
      "tpu.region"() ({
        %run_scoped3A = tpu.sem_alloc : memref<!tpu.dma_semaphore, #tpu.memory_space<semaphore_mem>>
        %dma_start3A_123 = arith.constant 9984 : i32
        %dma_start3A_124 = arith.constant 0 : i32
        %dma_start3A_125 = tpu.memref_slice %arg4[%arg0, %dma_start3A_123, %dma_start3A_124] : memref<2x10000x128xf32, #tpu.memory_space<hbm>> -> memref<1x16x128xf32, #tpu.memory_space<hbm>>
        %dma_start3A_126 = tpu.memref_squeeze %dma_start3A_125 : memref<1x16x128xf32, #tpu.memory_space<hbm>> -> memref<16x128xf32, #tpu.memory_space<hbm>>
        %dma_start3A_127 = arith.constant 9984 : i32
        %dma_start3A_128 = arith.constant 0 : i32
        %dma_start3A_129 = tpu.memref_slice %arg8[%dma_start3A_127, %dma_start3A_128] : memref<10000x128xf32, #tpu.memory_space<vmem_shared>> -> memref<16x128xf32, #tpu.memory_space<vmem_shared>>
        tpu.enqueue_dma source(%dma_start3A_129 : memref<16x128xf32, #tpu.memory_space<vmem_shared>>) target(%dma_start3A_126 : memref<16x128xf32, #tpu.memory_space<hbm>>) target_semaphore(%run_scoped3A : memref<!tpu.dma_semaphore, #tpu.memory_space<semaphore_mem>>)
        %dma_wait3A_130 = arith.constant 9984 : i32
        %dma_wait3A_131 = arith.constant 0 : i32
        %dma_wait3A_132 = tpu.memref_slice %arg4[%arg0, %dma_wait3A_130, %dma_wait3A_131] : memref<2x10000x128xf32, #tpu.memory_space<hbm>> -> memref<1x16x128xf32, #tpu.memory_space<hbm>>
        %dma_wait3A_133 = tpu.memref_squeeze %dma_wait3A_132 : memref<1x16x128xf32, #tpu.memory_space<hbm>> -> memref<16x128xf32, #tpu.memory_space<hbm>>
        %dma_wait3A_134 = arith.constant 9984 : i32
        %dma_wait3A_135 = arith.constant 0 : i32
        %dma_wait3A_136 = tpu.memref_slice %arg8[%dma_wait3A_134, %dma_wait3A_135] : memref<10000x128xf32, #tpu.memory_space<vmem_shared>> -> memref<16x128xf32, #tpu.memory_space<vmem_shared>>
        tpu.wait_dma2 semaphore(%run_scoped3A : memref<!tpu.dma_semaphore, #tpu.memory_space<semaphore_mem>>) src(%dma_wait3A_136 : memref<16x128xf32, #tpu.memory_space<vmem_shared>>) dst(%dma_wait3A_133 : memref<16x128xf32, #tpu.memory_space<hbm>>)
        tpu.yield
      }) : () -> ()
    } else {
    }
    return
  }
}

#map = affine_map<(d0, d1) -> (0, 0)>
#map1 = affine_map<(d0, d1) -> (0, 0, 0, 0, 0)>
#map2 = affine_map<(d0, d1) -> (0, 0, 0)>
module attributes {stable_mosaic.version = 14 : i64} {
  func.func @_agg(%arg0: i32, %arg1: i32, %arg2: memref<10000x128xf32, #tpu.memory_space<hbm>>, %arg3: memref<2x32x5x25x80xi32, #tpu.memory_space<hbm>>, %arg4: memref<2x10000x128xf32, #tpu.memory_space<hbm>>, %arg5: memref<2x25x80xi32, #tpu.memory_space<vmem>>, %arg6: memref<2x25x80xi32, #tpu.memory_space<vmem>>, %arg7: memref<3x80x128xf32, #tpu.memory_space<vmem>>, %arg8: memref<10000x128xf32, #tpu.memory_space<vmem_shared>>, %arg9: memref<!tpu.dma_semaphore, #tpu.memory_space<semaphore_mem>>, %arg10: memref<!tpu.dma_semaphore, #tpu.memory_space<semaphore_mem>>, %arg11: memref<!tpu.dma_semaphore, #tpu.memory_space<semaphore_mem>>, %arg12: memref<!tpu.dma_semaphore, #tpu.memory_space<semaphore_mem>>, %arg13: memref<!tpu.dma_semaphore, #tpu.memory_space<semaphore_mem>>, %arg14: memref<!tpu.dma_semaphore, #tpu.memory_space<semaphore_mem>>, %arg15: memref<!tpu.dma_semaphore, #tpu.memory_space<semaphore_mem>>) attributes {dimension_semantics = [#tpu.dimension_semantics<core_parallel>, #tpu.dimension_semantics<subcore_parallel>], iteration_bounds = array<i64: 2, 16>, scalar_prefetch = 0 : i64, scratch_operands = 11 : i64, tpu.core_type = #tpu.core_type<sc_vector_subcore>, window_params = [{transform_indices = #map}, {transform_indices = #map1}, {transform_indices = #map2}]} {
    %mul3A = arith.constant 2 : i32
    %mul3A_0 = arith.muli %arg1, %mul3A : i32
    %add3A = arith.addi %mul3A_0, %arg0 : i32
    %dma_start3A = arith.constant 0 : i32
    %dma_start3A_1 = arith.constant 0 : i32
    %dma_start3A_2 = arith.constant 0 : i32
    %dma_start3A_3 = arith.constant 0 : i32
    %dma_start3A_4 = arith.constant 0 : i32
    %dma_start3A_5 = tpu.memref_slice %arg5[%dma_start3A_2, %dma_start3A_3, %dma_start3A_4] : memref<2x25x80xi32, #tpu.memory_space<vmem>> -> memref<1x25x80xi32, #tpu.memory_space<vmem>>
    %dma_start3A_6 = tpu.memref_squeeze %dma_start3A_5 : memref<1x25x80xi32, #tpu.memory_space<vmem>> -> memref<25x80xi32, #tpu.memory_space<vmem>>
    %dma_start3A_7 = arith.constant 0 : i32
    %dma_start3A_8 = arith.constant 0 : i32
    %dma_start3A_9 = tpu.memref_slice %arg3[%dma_start3A, %add3A, %dma_start3A_1, %dma_start3A_7, %dma_start3A_8] : memref<2x32x5x25x80xi32, #tpu.memory_space<hbm>> -> memref<1x1x1x25x80xi32, #tpu.memory_space<hbm>>
    %dma_start3A_10 = tpu.memref_squeeze %dma_start3A_9 : memref<1x1x1x25x80xi32, #tpu.memory_space<hbm>> -> memref<25x80xi32, #tpu.memory_space<hbm>>
    %dma_start3A_11 = arith.constant 0 : i32
    %dma_start3A_12 = arith.constant 0 : i32
    %dma_start3A_13 = tpu.memref_slice %arg5[%dma_start3A_2, %dma_start3A_11, %dma_start3A_12] : memref<2x25x80xi32, #tpu.memory_space<vmem>> -> memref<1x25x80xi32, #tpu.memory_space<vmem>>
    %dma_start3A_14 = tpu.memref_squeeze %dma_start3A_13 : memref<1x25x80xi32, #tpu.memory_space<vmem>> -> memref<25x80xi32, #tpu.memory_space<vmem>>
    %dma_start3A_15 = arith.constant 0 : i32
    %dma_start3A_16 = arith.constant 0 : i32
    %dma_start3A_17 = tpu.memref_slice %arg3[%dma_start3A, %add3A, %dma_start3A_1, %dma_start3A_15, %dma_start3A_16] : memref<2x32x5x25x80xi32, #tpu.memory_space<hbm>> -> memref<1x1x1x25x80xi32, #tpu.memory_space<hbm>>
    %dma_start3A_18 = tpu.memref_squeeze %dma_start3A_17 : memref<1x1x1x25x80xi32, #tpu.memory_space<hbm>> -> memref<25x80xi32, #tpu.memory_space<hbm>>
    tpu.enqueue_dma source(%dma_start3A_18 : memref<25x80xi32, #tpu.memory_space<hbm>>) target(%dma_start3A_14 : memref<25x80xi32, #tpu.memory_space<vmem>>) target_semaphore(%arg15 : memref<!tpu.dma_semaphore, #tpu.memory_space<semaphore_mem>>)
    %dma_start3A_19 = arith.constant 1 : i32
    %dma_start3A_20 = arith.constant 0 : i32
    %dma_start3A_21 = arith.constant 0 : i32
    %dma_start3A_22 = arith.constant 0 : i32
    %dma_start3A_23 = arith.constant 0 : i32
    %dma_start3A_24 = tpu.memref_slice %arg6[%dma_start3A_21, %dma_start3A_22, %dma_start3A_23] : memref<2x25x80xi32, #tpu.memory_space<vmem>> -> memref<1x25x80xi32, #tpu.memory_space<vmem>>
    %dma_start3A_25 = tpu.memref_squeeze %dma_start3A_24 : memref<1x25x80xi32, #tpu.memory_space<vmem>> -> memref<25x80xi32, #tpu.memory_space<vmem>>
    %dma_start3A_26 = arith.constant 0 : i32
    %dma_start3A_27 = arith.constant 0 : i32
    %dma_start3A_28 = tpu.memref_slice %arg3[%dma_start3A_19, %add3A, %dma_start3A_20, %dma_start3A_26, %dma_start3A_27] : memref<2x32x5x25x80xi32, #tpu.memory_space<hbm>> -> memref<1x1x1x25x80xi32, #tpu.memory_space<hbm>>
    %dma_start3A_29 = tpu.memref_squeeze %dma_start3A_28 : memref<1x1x1x25x80xi32, #tpu.memory_space<hbm>> -> memref<25x80xi32, #tpu.memory_space<hbm>>
    %dma_start3A_30 = arith.constant 0 : i32
    %dma_start3A_31 = arith.constant 0 : i32
    %dma_start3A_32 = tpu.memref_slice %arg6[%dma_start3A_21, %dma_start3A_30, %dma_start3A_31] : memref<2x25x80xi32, #tpu.memory_space<vmem>> -> memref<1x25x80xi32, #tpu.memory_space<vmem>>
    %dma_start3A_33 = tpu.memref_squeeze %dma_start3A_32 : memref<1x25x80xi32, #tpu.memory_space<vmem>> -> memref<25x80xi32, #tpu.memory_space<vmem>>
    %dma_start3A_34 = arith.constant 0 : i32
    %dma_start3A_35 = arith.constant 0 : i32
    %dma_start3A_36 = tpu.memref_slice %arg3[%dma_start3A_19, %add3A, %dma_start3A_20, %dma_start3A_34, %dma_start3A_35] : memref<2x32x5x25x80xi32, #tpu.memory_space<hbm>> -> memref<1x1x1x25x80xi32, #tpu.memory_space<hbm>>
    %dma_start3A_37 = tpu.memref_squeeze %dma_start3A_36 : memref<1x1x1x25x80xi32, #tpu.memory_space<hbm>> -> memref<25x80xi32, #tpu.memory_space<hbm>>
    tpu.enqueue_dma source(%dma_start3A_37 : memref<25x80xi32, #tpu.memory_space<hbm>>) target(%dma_start3A_33 : memref<25x80xi32, #tpu.memory_space<vmem>>) target_semaphore(%arg15 : memref<!tpu.dma_semaphore, #tpu.memory_space<semaphore_mem>>)
    %mul3A_38 = arith.constant 624 : i32
    %mul3A_39 = arith.muli %arg1, %mul3A_38 : i32
    %mul3A_40 = arith.constant 624 : i32
    %mul3A_41 = arith.muli %arg1, %mul3A_40 : i32
    "tpu.region"() ({
      %run_scoped3A = tpu.sem_alloc : memref<!tpu.dma_semaphore, #tpu.memory_space<semaphore_mem>>
      %dma_start3A_123 = arith.constant 0 : i32
      %dma_start3A_124 = tpu.memref_slice %arg8[%mul3A_41, %dma_start3A_123] : memref<10000x128xf32, #tpu.memory_space<vmem_shared>> -> memref<624x128xf32, #tpu.memory_space<vmem_shared>>
      %dma_start3A_125 = arith.constant 0 : i32
      %dma_start3A_126 = tpu.memref_slice %arg2[%mul3A_39, %dma_start3A_125] : memref<10000x128xf32, #tpu.memory_space<hbm>> -> memref<624x128xf32, #tpu.memory_space<hbm>>
      tpu.enqueue_dma source(%dma_start3A_126 : memref<624x128xf32, #tpu.memory_space<hbm>>) target(%dma_start3A_124 : memref<624x128xf32, #tpu.memory_space<vmem_shared>>) target_semaphore(%run_scoped3A : memref<!tpu.dma_semaphore, #tpu.memory_space<semaphore_mem>>)
      %dma_wait3A_127 = arith.constant 0 : i32
      %dma_wait3A_128 = tpu.memref_slice %arg8[%mul3A_41, %dma_wait3A_127] : memref<10000x128xf32, #tpu.memory_space<vmem_shared>> -> memref<624x128xf32, #tpu.memory_space<vmem_shared>>
      %dma_wait3A_129 = arith.constant 0 : i32
      %dma_wait3A_130 = tpu.memref_slice %arg2[%mul3A_39, %dma_wait3A_129] : memref<10000x128xf32, #tpu.memory_space<hbm>> -> memref<624x128xf32, #tpu.memory_space<hbm>>
      tpu.wait_dma2 semaphore(%run_scoped3A : memref<!tpu.dma_semaphore, #tpu.memory_space<semaphore_mem>>) src(%dma_wait3A_130 : memref<624x128xf32, #tpu.memory_space<hbm>>) dst(%dma_wait3A_128 : memref<624x128xf32, #tpu.memory_space<vmem_shared>>)
      tpu.yield
    }) : () -> ()
    %eq3A = arith.constant 0 : i32
    %eq3A_42 = arith.cmpi eq, %arg1, %eq3A : i32
    %convert_element_type3A = arith.extui %eq3A_42 : i1 to i32
    %cond3A = arith.constant 0 : i32
    %cond3A_43 = arith.cmpi ne, %convert_element_type3A, %cond3A : i32
    scf.if %cond3A_43 {
      "tpu.region"() ({
        %run_scoped3A = tpu.sem_alloc : memref<!tpu.dma_semaphore, #tpu.memory_space<semaphore_mem>>
        %dma_start3A_123 = arith.constant 9984 : i32
        %dma_start3A_124 = arith.constant 0 : i32
        %dma_start3A_125 = tpu.memref_slice %arg8[%dma_start3A_123, %dma_start3A_124] : memref<10000x128xf32, #tpu.memory_space<vmem_shared>> -> memref<16x128xf32, #tpu.memory_space<vmem_shared>>
        %dma_start3A_126 = arith.constant 9984 : i32
        %dma_start3A_127 = arith.constant 0 : i32
        %dma_start3A_128 = tpu.memref_slice %arg2[%dma_start3A_126, %dma_start3A_127] : memref<10000x128xf32, #tpu.memory_space<hbm>> -> memref<16x128xf32, #tpu.memory_space<hbm>>
        tpu.enqueue_dma source(%dma_start3A_128 : memref<16x128xf32, #tpu.memory_space<hbm>>) target(%dma_start3A_125 : memref<16x128xf32, #tpu.memory_space<vmem_shared>>) target_semaphore(%run_scoped3A : memref<!tpu.dma_semaphore, #tpu.memory_space<semaphore_mem>>)
        %dma_wait3A_129 = arith.constant 9984 : i32
        %dma_wait3A_130 = arith.constant 0 : i32
        %dma_wait3A_131 = tpu.memref_slice %arg8[%dma_wait3A_129, %dma_wait3A_130] : memref<10000x128xf32, #tpu.memory_space<vmem_shared>> -> memref<16x128xf32, #tpu.memory_space<vmem_shared>>
        %dma_wait3A_132 = arith.constant 9984 : i32
        %dma_wait3A_133 = arith.constant 0 : i32
        %dma_wait3A_134 = tpu.memref_slice %arg2[%dma_wait3A_132, %dma_wait3A_133] : memref<10000x128xf32, #tpu.memory_space<hbm>> -> memref<16x128xf32, #tpu.memory_space<hbm>>
        tpu.wait_dma2 semaphore(%run_scoped3A : memref<!tpu.dma_semaphore, #tpu.memory_space<semaphore_mem>>) src(%dma_wait3A_134 : memref<16x128xf32, #tpu.memory_space<hbm>>) dst(%dma_wait3A_131 : memref<16x128xf32, #tpu.memory_space<vmem_shared>>)
        tpu.yield
      }) : () -> ()
    } else {
    }
    %dma_wait3A = arith.constant 0 : i32
    %dma_wait3A_44 = arith.constant 0 : i32
    %dma_wait3A_45 = arith.constant 0 : i32
    %dma_wait3A_46 = arith.constant 0 : i32
    %dma_wait3A_47 = arith.constant 0 : i32
    %dma_wait3A_48 = tpu.memref_slice %arg5[%dma_wait3A_45, %dma_wait3A_46, %dma_wait3A_47] : memref<2x25x80xi32, #tpu.memory_space<vmem>> -> memref<1x25x80xi32, #tpu.memory_space<vmem>>
    %dma_wait3A_49 = tpu.memref_squeeze %dma_wait3A_48 : memref<1x25x80xi32, #tpu.memory_space<vmem>> -> memref<25x80xi32, #tpu.memory_space<vmem>>
    %dma_wait3A_50 = arith.constant 0 : i32
    %dma_wait3A_51 = arith.constant 0 : i32
    %dma_wait3A_52 = tpu.memref_slice %arg3[%dma_wait3A, %add3A, %dma_wait3A_44, %dma_wait3A_50, %dma_wait3A_51] : memref<2x32x5x25x80xi32, #tpu.memory_space<hbm>> -> memref<1x1x1x25x80xi32, #tpu.memory_space<hbm>>
    %dma_wait3A_53 = tpu.memref_squeeze %dma_wait3A_52 : memref<1x1x1x25x80xi32, #tpu.memory_space<hbm>> -> memref<25x80xi32, #tpu.memory_space<hbm>>
    %dma_wait3A_54 = arith.constant 0 : i32
    %dma_wait3A_55 = arith.constant 0 : i32
    %dma_wait3A_56 = tpu.memref_slice %arg5[%dma_wait3A_45, %dma_wait3A_54, %dma_wait3A_55] : memref<2x25x80xi32, #tpu.memory_space<vmem>> -> memref<1x25x80xi32, #tpu.memory_space<vmem>>
    %dma_wait3A_57 = tpu.memref_squeeze %dma_wait3A_56 : memref<1x25x80xi32, #tpu.memory_space<vmem>> -> memref<25x80xi32, #tpu.memory_space<vmem>>
    %dma_wait3A_58 = arith.constant 0 : i32
    %dma_wait3A_59 = arith.constant 0 : i32
    %dma_wait3A_60 = tpu.memref_slice %arg3[%dma_wait3A, %add3A, %dma_wait3A_44, %dma_wait3A_58, %dma_wait3A_59] : memref<2x32x5x25x80xi32, #tpu.memory_space<hbm>> -> memref<1x1x1x25x80xi32, #tpu.memory_space<hbm>>
    %dma_wait3A_61 = tpu.memref_squeeze %dma_wait3A_60 : memref<1x1x1x25x80xi32, #tpu.memory_space<hbm>> -> memref<25x80xi32, #tpu.memory_space<hbm>>
    tpu.wait_dma2 semaphore(%arg15 : memref<!tpu.dma_semaphore, #tpu.memory_space<semaphore_mem>>) src(%dma_wait3A_61 : memref<25x80xi32, #tpu.memory_space<hbm>>) dst(%dma_wait3A_57 : memref<25x80xi32, #tpu.memory_space<vmem>>)
    %dma_wait3A_62 = arith.constant 1 : i32
    %dma_wait3A_63 = arith.constant 0 : i32
    %dma_wait3A_64 = arith.constant 0 : i32
    %dma_wait3A_65 = arith.constant 0 : i32
    %dma_wait3A_66 = arith.constant 0 : i32
    %dma_wait3A_67 = tpu.memref_slice %arg6[%dma_wait3A_64, %dma_wait3A_65, %dma_wait3A_66] : memref<2x25x80xi32, #tpu.memory_space<vmem>> -> memref<1x25x80xi32, #tpu.memory_space<vmem>>
    %dma_wait3A_68 = tpu.memref_squeeze %dma_wait3A_67 : memref<1x25x80xi32, #tpu.memory_space<vmem>> -> memref<25x80xi32, #tpu.memory_space<vmem>>
    %dma_wait3A_69 = arith.constant 0 : i32
    %dma_wait3A_70 = arith.constant 0 : i32
    %dma_wait3A_71 = tpu.memref_slice %arg3[%dma_wait3A_62, %add3A, %dma_wait3A_63, %dma_wait3A_69, %dma_wait3A_70] : memref<2x32x5x25x80xi32, #tpu.memory_space<hbm>> -> memref<1x1x1x25x80xi32, #tpu.memory_space<hbm>>
    %dma_wait3A_72 = tpu.memref_squeeze %dma_wait3A_71 : memref<1x1x1x25x80xi32, #tpu.memory_space<hbm>> -> memref<25x80xi32, #tpu.memory_space<hbm>>
    %dma_wait3A_73 = arith.constant 0 : i32
    %dma_wait3A_74 = arith.constant 0 : i32
    %dma_wait3A_75 = tpu.memref_slice %arg6[%dma_wait3A_64, %dma_wait3A_73, %dma_wait3A_74] : memref<2x25x80xi32, #tpu.memory_space<vmem>> -> memref<1x25x80xi32, #tpu.memory_space<vmem>>
    %dma_wait3A_76 = tpu.memref_squeeze %dma_wait3A_75 : memref<1x25x80xi32, #tpu.memory_space<vmem>> -> memref<25x80xi32, #tpu.memory_space<vmem>>
    %dma_wait3A_77 = arith.constant 0 : i32
    %dma_wait3A_78 = arith.constant 0 : i32
    %dma_wait3A_79 = tpu.memref_slice %arg3[%dma_wait3A_62, %add3A, %dma_wait3A_63, %dma_wait3A_77, %dma_wait3A_78] : memref<2x32x5x25x80xi32, #tpu.memory_space<hbm>> -> memref<1x1x1x25x80xi32, #tpu.memory_space<hbm>>
    %dma_wait3A_80 = tpu.memref_squeeze %dma_wait3A_79 : memref<1x1x1x25x80xi32, #tpu.memory_space<hbm>> -> memref<25x80xi32, #tpu.memory_space<hbm>>
    tpu.wait_dma2 semaphore(%arg15 : memref<!tpu.dma_semaphore, #tpu.memory_space<semaphore_mem>>) src(%dma_wait3A_80 : memref<25x80xi32, #tpu.memory_space<hbm>>) dst(%dma_wait3A_76 : memref<25x80xi32, #tpu.memory_space<vmem>>)
    %dma_start3A_81 = arith.constant 0 : i32
    %dma_start3A_82 = arith.constant 0 : i32
    %dma_start3A_83 = arith.constant 0 : i32
    %dma_start3A_84 = arith.constant 0 : i32
    %dma_start3A_85 = arith.constant 0 : i32
    %dma_start3A_86 = tpu.memref_slice %arg7[%dma_start3A_83, %dma_start3A_84, %dma_start3A_85] : memref<3x80x128xf32, #tpu.memory_space<vmem>> -> memref<1x80x128xf32, #tpu.memory_space<vmem>>
    %dma_start3A_87 = tpu.memref_squeeze %dma_start3A_86 : memref<1x80x128xf32, #tpu.memory_space<vmem>> -> memref<80x128xf32, #tpu.memory_space<vmem>>
    %dma_start3A_88 = arith.constant 0 : i32
    %dma_start3A_89 = tpu.memref_slice %arg5[%dma_start3A_81, %dma_start3A_82, %dma_start3A_88] : memref<2x25x80xi32, #tpu.memory_space<vmem>> -> memref<1x1x80xi32, #tpu.memory_space<vmem>>
    %dma_start3A_90 = tpu.memref_squeeze %dma_start3A_89 : memref<1x1x80xi32, #tpu.memory_space<vmem>> -> memref<80xi32, #tpu.memory_space<vmem>>
    %dma_start3A_91 = arith.constant 0 : i32
    %dma_start3A_92 = arith.constant 0 : i32
    %dma_start3A_93 = tpu.memref_slice %arg2[%dma_start3A_91, %dma_start3A_92] : memref<10000x128xf32, #tpu.memory_space<hbm>> -> memref<10000x128xf32, #tpu.memory_space<hbm>>
    tpu.enqueue_indirect_dma source(%dma_start3A_93 : memref<10000x128xf32, #tpu.memory_space<hbm>>) target(%dma_start3A_87 : memref<80x128xf32, #tpu.memory_space<vmem>>) offsets(%dma_start3A_90 : memref<80xi32, #tpu.memory_space<vmem>>) semaphore(%arg9 : memref<!tpu.dma_semaphore, #tpu.memory_space<semaphore_mem>>)
    %dma_start3A_94 = arith.constant 0 : i32
    %dma_start3A_95 = arith.constant 1 : i32
    %dma_start3A_96 = arith.constant 1 : i32
    %dma_start3A_97 = arith.constant 0 : i32
    %dma_start3A_98 = arith.constant 0 : i32
    %dma_start3A_99 = tpu.memref_slice %arg7[%dma_start3A_96, %dma_start3A_97, %dma_start3A_98] : memref<3x80x128xf32, #tpu.memory_space<vmem>> -> memref<1x80x128xf32, #tpu.memory_space<vmem>>
    %dma_start3A_100 = tpu.memref_squeeze %dma_start3A_99 : memref<1x80x128xf32, #tpu.memory_space<vmem>> -> memref<80x128xf32, #tpu.memory_space<vmem>>
    %dma_start3A_101 = arith.constant 0 : i32
    %dma_start3A_102 = tpu.memref_slice %arg5[%dma_start3A_94, %dma_start3A_95, %dma_start3A_101] : memref<2x25x80xi32, #tpu.memory_space<vmem>> -> memref<1x1x80xi32, #tpu.memory_space<vmem>>
    %dma_start3A_103 = tpu.memref_squeeze %dma_start3A_102 : memref<1x1x80xi32, #tpu.memory_space<vmem>> -> memref<80xi32, #tpu.memory_space<vmem>>
    %dma_start3A_104 = arith.constant 0 : i32
    %dma_start3A_105 = arith.constant 0 : i32
    %dma_start3A_106 = tpu.memref_slice %arg2[%dma_start3A_104, %dma_start3A_105] : memref<10000x128xf32, #tpu.memory_space<hbm>> -> memref<10000x128xf32, #tpu.memory_space<hbm>>
    tpu.enqueue_indirect_dma source(%dma_start3A_106 : memref<10000x128xf32, #tpu.memory_space<hbm>>) target(%dma_start3A_100 : memref<80x128xf32, #tpu.memory_space<vmem>>) offsets(%dma_start3A_103 : memref<80xi32, #tpu.memory_space<vmem>>) semaphore(%arg10 : memref<!tpu.dma_semaphore, #tpu.memory_space<semaphore_mem>>)
    %barrier3A = arith.constant 0 : index
    tpu.barrier barrier_id(%barrier3A)
    %scan3A = arith.constant 0 : i32
    %scan3A_107 = arith.constant 0 : i32
    %scan3A_108 = arith.constant 5 : i32
    %scan3A_109 = arith.addi %scan3A_107, %scan3A_108 : i32
    %scan3A_110 = arith.constant 1 : i32
    %scan3A_111 = scf.for %scan3A_123 = %scan3A_107 to %scan3A_109 step %scan3A_110 iter_args(%scan3A_124 = %scan3A) -> (i32)  : i32 {
      %rem3A = arith.constant 2 : i32
      %rem3A_125 = arith.remsi %scan3A_123, %rem3A : i32
      %add3A_126 = arith.constant 1 : i32
      %add3A_127 = arith.addi %scan3A_123, %add3A_126 : i32
      %lt3A = arith.constant 5 : i32
      %lt3A_128 = arith.cmpi slt, %add3A_127, %lt3A : i32
      %convert_element_type3A_129 = arith.extui %lt3A_128 : i1 to i32
      %cond3A_130 = arith.constant 0 : i32
      %cond3A_131 = arith.cmpi ne, %convert_element_type3A_129, %cond3A_130 : i32
      scf.if %cond3A_131 {
        %add3A_195 = arith.constant 1 : i32
        %add3A_196 = arith.addi %scan3A_123, %add3A_195 : i32
        %sub3A = arith.constant 1 : i32
        %sub3A_197 = arith.subi %sub3A, %rem3A_125 : i32
        %dma_start3A_198 = arith.constant 0 : i32
        %dma_start3A_199 = arith.constant 0 : i32
        %dma_start3A_200 = arith.constant 0 : i32
        %dma_start3A_201 = tpu.memref_slice %arg5[%sub3A_197, %dma_start3A_199, %dma_start3A_200] : memref<2x25x80xi32, #tpu.memory_space<vmem>> -> memref<1x25x80xi32, #tpu.memory_space<vmem>>
        %dma_start3A_202 = tpu.memref_squeeze %dma_start3A_201 : memref<1x25x80xi32, #tpu.memory_space<vmem>> -> memref<25x80xi32, #tpu.memory_space<vmem>>
        %dma_start3A_203 = arith.constant 0 : i32
        %dma_start3A_204 = arith.constant 0 : i32
        %dma_start3A_205 = tpu.memref_slice %arg3[%dma_start3A_198, %add3A, %add3A_196, %dma_start3A_203, %dma_start3A_204] : memref<2x32x5x25x80xi32, #tpu.memory_space<hbm>> -> memref<1x1x1x25x80xi32, #tpu.memory_space<hbm>>
        %dma_start3A_206 = tpu.memref_squeeze %dma_start3A_205 : memref<1x1x1x25x80xi32, #tpu.memory_space<hbm>> -> memref<25x80xi32, #tpu.memory_space<hbm>>
        %dma_start3A_207 = arith.constant 0 : i32
        %dma_start3A_208 = arith.constant 0 : i32
        %dma_start3A_209 = tpu.memref_slice %arg5[%sub3A_197, %dma_start3A_207, %dma_start3A_208] : memref<2x25x80xi32, #tpu.memory_space<vmem>> -> memref<1x25x80xi32, #tpu.memory_space<vmem>>
        %dma_start3A_210 = tpu.memref_squeeze %dma_start3A_209 : memref<1x25x80xi32, #tpu.memory_space<vmem>> -> memref<25x80xi32, #tpu.memory_space<vmem>>
        %dma_start3A_211 = arith.constant 0 : i32
        %dma_start3A_212 = arith.constant 0 : i32
        %dma_start3A_213 = tpu.memref_slice %arg3[%dma_start3A_198, %add3A, %add3A_196, %dma_start3A_211, %dma_start3A_212] : memref<2x32x5x25x80xi32, #tpu.memory_space<hbm>> -> memref<1x1x1x25x80xi32, #tpu.memory_space<hbm>>
        %dma_start3A_214 = tpu.memref_squeeze %dma_start3A_213 : memref<1x1x1x25x80xi32, #tpu.memory_space<hbm>> -> memref<25x80xi32, #tpu.memory_space<hbm>>
        tpu.enqueue_dma source(%dma_start3A_214 : memref<25x80xi32, #tpu.memory_space<hbm>>) target(%dma_start3A_210 : memref<25x80xi32, #tpu.memory_space<vmem>>) target_semaphore(%arg15 : memref<!tpu.dma_semaphore, #tpu.memory_space<semaphore_mem>>)
        %dma_start3A_215 = arith.constant 1 : i32
        %dma_start3A_216 = arith.constant 0 : i32
        %dma_start3A_217 = arith.constant 0 : i32
        %dma_start3A_218 = tpu.memref_slice %arg6[%sub3A_197, %dma_start3A_216, %dma_start3A_217] : memref<2x25x80xi32, #tpu.memory_space<vmem>> -> memref<1x25x80xi32, #tpu.memory_space<vmem>>
        %dma_start3A_219 = tpu.memref_squeeze %dma_start3A_218 : memref<1x25x80xi32, #tpu.memory_space<vmem>> -> memref<25x80xi32, #tpu.memory_space<vmem>>
        %dma_start3A_220 = arith.constant 0 : i32
        %dma_start3A_221 = arith.constant 0 : i32
        %dma_start3A_222 = tpu.memref_slice %arg3[%dma_start3A_215, %add3A, %add3A_196, %dma_start3A_220, %dma_start3A_221] : memref<2x32x5x25x80xi32, #tpu.memory_space<hbm>> -> memref<1x1x1x25x80xi32, #tpu.memory_space<hbm>>
        %dma_start3A_223 = tpu.memref_squeeze %dma_start3A_222 : memref<1x1x1x25x80xi32, #tpu.memory_space<hbm>> -> memref<25x80xi32, #tpu.memory_space<hbm>>
        %dma_start3A_224 = arith.constant 0 : i32
        %dma_start3A_225 = arith.constant 0 : i32
        %dma_start3A_226 = tpu.memref_slice %arg6[%sub3A_197, %dma_start3A_224, %dma_start3A_225] : memref<2x25x80xi32, #tpu.memory_space<vmem>> -> memref<1x25x80xi32, #tpu.memory_space<vmem>>
        %dma_start3A_227 = tpu.memref_squeeze %dma_start3A_226 : memref<1x25x80xi32, #tpu.memory_space<vmem>> -> memref<25x80xi32, #tpu.memory_space<vmem>>
        %dma_start3A_228 = arith.constant 0 : i32
        %dma_start3A_229 = arith.constant 0 : i32
        %dma_start3A_230 = tpu.memref_slice %arg3[%dma_start3A_215, %add3A, %add3A_196, %dma_start3A_228, %dma_start3A_229] : memref<2x32x5x25x80xi32, #tpu.memory_space<hbm>> -> memref<1x1x1x25x80xi32, #tpu.memory_space<hbm>>
        %dma_start3A_231 = tpu.memref_squeeze %dma_start3A_230 : memref<1x1x1x25x80xi32, #tpu.memory_space<hbm>> -> memref<25x80xi32, #tpu.memory_space<hbm>>
        tpu.enqueue_dma source(%dma_start3A_231 : memref<25x80xi32, #tpu.memory_space<hbm>>) target(%dma_start3A_227 : memref<25x80xi32, #tpu.memory_space<vmem>>) target_semaphore(%arg15 : memref<!tpu.dma_semaphore, #tpu.memory_space<semaphore_mem>>)
      } else {
      }
      %scan3A_132 = arith.constant 0 : i32
      %scan3A_133 = arith.constant 0 : i32
      %scan3A_134 = arith.constant 8 : i32
      %scan3A_135 = arith.addi %scan3A_133, %scan3A_134 : i32
      %scan3A_136 = arith.constant 1 : i32
      %scan3A_137 = scf.for %scan3A_195 = %scan3A_133 to %scan3A_135 step %scan3A_136 iter_args(%scan3A_196 = %scan3A_132) -> (i32)  : i32 {
        %mul3A_197 = arith.constant 3 : i32
        %mul3A_198 = arith.muli %mul3A_197, %scan3A_195 : i32
        %gt3A = arith.constant 0 : i32
        %gt3A_199 = arith.cmpi sgt, %scan3A_195, %gt3A : i32
        %convert_element_type3A_200 = arith.extui %gt3A_199 : i1 to i32
        %cond3A_201 = arith.constant 0 : i32
        %cond3A_202 = arith.cmpi ne, %convert_element_type3A_200, %cond3A_201 : i32
        scf.if %cond3A_202 {
          %sub3A = arith.constant 1 : i32
          %sub3A_335 = arith.subi %mul3A_198, %sub3A : i32
          %dma_wait3A_336 = arith.constant 2 : i32
          %dma_wait3A_337 = arith.constant 0 : i32
          %dma_wait3A_338 = arith.constant 0 : i32
          %dma_wait3A_339 = tpu.memref_slice %arg7[%dma_wait3A_336, %dma_wait3A_337, %dma_wait3A_338] : memref<3x80x128xf32, #tpu.memory_space<vmem>> -> memref<1x80x128xf32, #tpu.memory_space<vmem>>
          %dma_wait3A_340 = tpu.memref_squeeze %dma_wait3A_339 : memref<1x80x128xf32, #tpu.memory_space<vmem>> -> memref<80x128xf32, #tpu.memory_space<vmem>>
          %dma_wait3A_341 = arith.constant 0 : i32
          %dma_wait3A_342 = tpu.memref_slice %arg6[%rem3A_125, %sub3A_335, %dma_wait3A_341] : memref<2x25x80xi32, #tpu.memory_space<vmem>> -> memref<1x1x80xi32, #tpu.memory_space<vmem>>
          %dma_wait3A_343 = tpu.memref_squeeze %dma_wait3A_342 : memref<1x1x80xi32, #tpu.memory_space<vmem>> -> memref<80xi32, #tpu.memory_space<vmem>>
          %dma_wait3A_344 = arith.constant 0 : i32
          %dma_wait3A_345 = arith.constant 0 : i32
          %dma_wait3A_346 = tpu.memref_slice %arg8[%dma_wait3A_344, %dma_wait3A_345] : memref<10000x128xf32, #tpu.memory_space<vmem_shared>> -> memref<10000x128xf32, #tpu.memory_space<vmem_shared>>
          tpu.wait_indirect_dma semaphore(%arg14 : memref<!tpu.dma_semaphore, #tpu.memory_space<semaphore_mem>>) src(%dma_wait3A_340 : memref<80x128xf32, #tpu.memory_space<vmem>>) dst(%dma_wait3A_346 : memref<10000x128xf32, #tpu.memory_space<vmem_shared>>)
        } else {
        }
        %add3A_203 = arith.constant 2 : i32
        %add3A_204 = arith.addi %mul3A_198, %add3A_203 : i32
        %dma_start3A_205 = arith.constant 2 : i32
        %dma_start3A_206 = arith.constant 0 : i32
        %dma_start3A_207 = arith.constant 0 : i32
        %dma_start3A_208 = tpu.memref_slice %arg7[%dma_start3A_205, %dma_start3A_206, %dma_start3A_207] : memref<3x80x128xf32, #tpu.memory_space<vmem>> -> memref<1x80x128xf32, #tpu.memory_space<vmem>>
        %dma_start3A_209 = tpu.memref_squeeze %dma_start3A_208 : memref<1x80x128xf32, #tpu.memory_space<vmem>> -> memref<80x128xf32, #tpu.memory_space<vmem>>
        %dma_start3A_210 = arith.constant 0 : i32
        %dma_start3A_211 = tpu.memref_slice %arg5[%rem3A_125, %add3A_204, %dma_start3A_210] : memref<2x25x80xi32, #tpu.memory_space<vmem>> -> memref<1x1x80xi32, #tpu.memory_space<vmem>>
        %dma_start3A_212 = tpu.memref_squeeze %dma_start3A_211 : memref<1x1x80xi32, #tpu.memory_space<vmem>> -> memref<80xi32, #tpu.memory_space<vmem>>
        %dma_start3A_213 = arith.constant 0 : i32
        %dma_start3A_214 = arith.constant 0 : i32
        %dma_start3A_215 = tpu.memref_slice %arg2[%dma_start3A_213, %dma_start3A_214] : memref<10000x128xf32, #tpu.memory_space<hbm>> -> memref<10000x128xf32, #tpu.memory_space<hbm>>
        tpu.enqueue_indirect_dma source(%dma_start3A_215 : memref<10000x128xf32, #tpu.memory_space<hbm>>) target(%dma_start3A_209 : memref<80x128xf32, #tpu.memory_space<vmem>>) offsets(%dma_start3A_212 : memref<80xi32, #tpu.memory_space<vmem>>) semaphore(%arg11 : memref<!tpu.dma_semaphore, #tpu.memory_space<semaphore_mem>>)
        %dma_wait3A_216 = arith.constant 0 : i32
        %dma_wait3A_217 = arith.constant 0 : i32
        %dma_wait3A_218 = arith.constant 0 : i32
        %dma_wait3A_219 = tpu.memref_slice %arg7[%dma_wait3A_216, %dma_wait3A_217, %dma_wait3A_218] : memref<3x80x128xf32, #tpu.memory_space<vmem>> -> memref<1x80x128xf32, #tpu.memory_space<vmem>>
        %dma_wait3A_220 = tpu.memref_squeeze %dma_wait3A_219 : memref<1x80x128xf32, #tpu.memory_space<vmem>> -> memref<80x128xf32, #tpu.memory_space<vmem>>
        %dma_wait3A_221 = arith.constant 0 : i32
        %dma_wait3A_222 = tpu.memref_slice %arg5[%rem3A_125, %mul3A_198, %dma_wait3A_221] : memref<2x25x80xi32, #tpu.memory_space<vmem>> -> memref<1x1x80xi32, #tpu.memory_space<vmem>>
        %dma_wait3A_223 = tpu.memref_squeeze %dma_wait3A_222 : memref<1x1x80xi32, #tpu.memory_space<vmem>> -> memref<80xi32, #tpu.memory_space<vmem>>
        %dma_wait3A_224 = arith.constant 0 : i32
        %dma_wait3A_225 = arith.constant 0 : i32
        %dma_wait3A_226 = tpu.memref_slice %arg2[%dma_wait3A_224, %dma_wait3A_225] : memref<10000x128xf32, #tpu.memory_space<hbm>> -> memref<10000x128xf32, #tpu.memory_space<hbm>>
        tpu.wait_indirect_dma semaphore(%arg9 : memref<!tpu.dma_semaphore, #tpu.memory_space<semaphore_mem>>) src(%dma_wait3A_226 : memref<10000x128xf32, #tpu.memory_space<hbm>>) dst(%dma_wait3A_220 : memref<80x128xf32, #tpu.memory_space<vmem>>)
        %dma_start3A_227 = arith.constant 0 : i32
        %dma_start3A_228 = arith.constant 0 : i32
        %dma_start3A_229 = arith.constant 0 : i32
        %dma_start3A_230 = tpu.memref_slice %arg7[%dma_start3A_227, %dma_start3A_228, %dma_start3A_229] : memref<3x80x128xf32, #tpu.memory_space<vmem>> -> memref<1x80x128xf32, #tpu.memory_space<vmem>>
        %dma_start3A_231 = tpu.memref_squeeze %dma_start3A_230 : memref<1x80x128xf32, #tpu.memory_space<vmem>> -> memref<80x128xf32, #tpu.memory_space<vmem>>
        %dma_start3A_232 = arith.constant 0 : i32
        %dma_start3A_233 = tpu.memref_slice %arg6[%rem3A_125, %mul3A_198, %dma_start3A_232] : memref<2x25x80xi32, #tpu.memory_space<vmem>> -> memref<1x1x80xi32, #tpu.memory_space<vmem>>
        %dma_start3A_234 = tpu.memref_squeeze %dma_start3A_233 : memref<1x1x80xi32, #tpu.memory_space<vmem>> -> memref<80xi32, #tpu.memory_space<vmem>>
        %dma_start3A_235 = arith.constant 0 : i32
        %dma_start3A_236 = arith.constant 0 : i32
        %dma_start3A_237 = tpu.memref_slice %arg8[%dma_start3A_235, %dma_start3A_236] : memref<10000x128xf32, #tpu.memory_space<vmem_shared>> -> memref<10000x128xf32, #tpu.memory_space<vmem_shared>>
        tpu.enqueue_indirect_dma source(%dma_start3A_231 : memref<80x128xf32, #tpu.memory_space<vmem>>) target(%dma_start3A_237 : memref<10000x128xf32, #tpu.memory_space<vmem_shared>>) offsets(%dma_start3A_234 : memref<80xi32, #tpu.memory_space<vmem>>) semaphore(%arg12 : memref<!tpu.dma_semaphore, #tpu.memory_space<semaphore_mem>>) {add = true}
        %dma_wait3A_238 = arith.constant 0 : i32
        %dma_wait3A_239 = arith.constant 0 : i32
        %dma_wait3A_240 = arith.constant 0 : i32
        %dma_wait3A_241 = tpu.memref_slice %arg7[%dma_wait3A_238, %dma_wait3A_239, %dma_wait3A_240] : memref<3x80x128xf32, #tpu.memory_space<vmem>> -> memref<1x80x128xf32, #tpu.memory_space<vmem>>
        %dma_wait3A_242 = tpu.memref_squeeze %dma_wait3A_241 : memref<1x80x128xf32, #tpu.memory_space<vmem>> -> memref<80x128xf32, #tpu.memory_space<vmem>>
        %dma_wait3A_243 = arith.constant 0 : i32
        %dma_wait3A_244 = tpu.memref_slice %arg6[%rem3A_125, %mul3A_198, %dma_wait3A_243] : memref<2x25x80xi32, #tpu.memory_space<vmem>> -> memref<1x1x80xi32, #tpu.memory_space<vmem>>
        %dma_wait3A_245 = tpu.memref_squeeze %dma_wait3A_244 : memref<1x1x80xi32, #tpu.memory_space<vmem>> -> memref<80xi32, #tpu.memory_space<vmem>>
        %dma_wait3A_246 = arith.constant 0 : i32
        %dma_wait3A_247 = arith.constant 0 : i32
        %dma_wait3A_248 = tpu.memref_slice %arg8[%dma_wait3A_246, %dma_wait3A_247] : memref<10000x128xf32, #tpu.memory_space<vmem_shared>> -> memref<10000x128xf32, #tpu.memory_space<vmem_shared>>
        tpu.wait_indirect_dma semaphore(%arg12 : memref<!tpu.dma_semaphore, #tpu.memory_space<semaphore_mem>>) src(%dma_wait3A_242 : memref<80x128xf32, #tpu.memory_space<vmem>>) dst(%dma_wait3A_248 : memref<10000x128xf32, #tpu.memory_space<vmem_shared>>)
        %add3A_249 = arith.constant 3 : i32
        %add3A_250 = arith.addi %mul3A_198, %add3A_249 : i32
        %dma_start3A_251 = arith.constant 0 : i32
        %dma_start3A_252 = arith.constant 0 : i32
        %dma_start3A_253 = arith.constant 0 : i32
        %dma_start3A_254 = tpu.memref_slice %arg7[%dma_start3A_251, %dma_start3A_252, %dma_start3A_253] : memref<3x80x128xf32, #tpu.memory_space<vmem>> -> memref<1x80x128xf32, #tpu.memory_space<vmem>>
        %dma_start3A_255 = tpu.memref_squeeze %dma_start3A_254 : memref<1x80x128xf32, #tpu.memory_space<vmem>> -> memref<80x128xf32, #tpu.memory_space<vmem>>
        %dma_start3A_256 = arith.constant 0 : i32
        %dma_start3A_257 = tpu.memref_slice %arg5[%rem3A_125, %add3A_250, %dma_start3A_256] : memref<2x25x80xi32, #tpu.memory_space<vmem>> -> memref<1x1x80xi32, #tpu.memory_space<vmem>>
        %dma_start3A_258 = tpu.memref_squeeze %dma_start3A_257 : memref<1x1x80xi32, #tpu.memory_space<vmem>> -> memref<80xi32, #tpu.memory_space<vmem>>
        %dma_start3A_259 = arith.constant 0 : i32
        %dma_start3A_260 = arith.constant 0 : i32
        %dma_start3A_261 = tpu.memref_slice %arg2[%dma_start3A_259, %dma_start3A_260] : memref<10000x128xf32, #tpu.memory_space<hbm>> -> memref<10000x128xf32, #tpu.memory_space<hbm>>
        tpu.enqueue_indirect_dma source(%dma_start3A_261 : memref<10000x128xf32, #tpu.memory_space<hbm>>) target(%dma_start3A_255 : memref<80x128xf32, #tpu.memory_space<vmem>>) offsets(%dma_start3A_258 : memref<80xi32, #tpu.memory_space<vmem>>) semaphore(%arg9 : memref<!tpu.dma_semaphore, #tpu.memory_space<semaphore_mem>>)
        %add3A_262 = arith.constant 1 : i32
        %add3A_263 = arith.addi %mul3A_198, %add3A_262 : i32
        %dma_wait3A_264 = arith.constant 1 : i32
        %dma_wait3A_265 = arith.constant 0 : i32
        %dma_wait3A_266 = arith.constant 0 : i32
        %dma_wait3A_267 = tpu.memref_slice %arg7[%dma_wait3A_264, %dma_wait3A_265, %dma_wait3A_266] : memref<3x80x128xf32, #tpu.memory_space<vmem>> -> memref<1x80x128xf32, #tpu.memory_space<vmem>>
        %dma_wait3A_268 = tpu.memref_squeeze %dma_wait3A_267 : memref<1x80x128xf32, #tpu.memory_space<vmem>> -> memref<80x128xf32, #tpu.memory_space<vmem>>
        %dma_wait3A_269 = arith.constant 0 : i32
        %dma_wait3A_270 = tpu.memref_slice %arg5[%rem3A_125, %add3A_263, %dma_wait3A_269] : memref<2x25x80xi32, #tpu.memory_space<vmem>> -> memref<1x1x80xi32, #tpu.memory_space<vmem>>
        %dma_wait3A_271 = tpu.memref_squeeze %dma_wait3A_270 : memref<1x1x80xi32, #tpu.memory_space<vmem>> -> memref<80xi32, #tpu.memory_space<vmem>>
        %dma_wait3A_272 = arith.constant 0 : i32
        %dma_wait3A_273 = arith.constant 0 : i32
        %dma_wait3A_274 = tpu.memref_slice %arg2[%dma_wait3A_272, %dma_wait3A_273] : memref<10000x128xf32, #tpu.memory_space<hbm>> -> memref<10000x128xf32, #tpu.memory_space<hbm>>
        tpu.wait_indirect_dma semaphore(%arg10 : memref<!tpu.dma_semaphore, #tpu.memory_space<semaphore_mem>>) src(%dma_wait3A_274 : memref<10000x128xf32, #tpu.memory_space<hbm>>) dst(%dma_wait3A_268 : memref<80x128xf32, #tpu.memory_space<vmem>>)
        %add3A_275 = arith.constant 1 : i32
        %add3A_276 = arith.addi %mul3A_198, %add3A_275 : i32
        %dma_start3A_277 = arith.constant 1 : i32
        %dma_start3A_278 = arith.constant 0 : i32
        %dma_start3A_279 = arith.constant 0 : i32
        %dma_start3A_280 = tpu.memref_slice %arg7[%dma_start3A_277, %dma_start3A_278, %dma_start3A_279] : memref<3x80x128xf32, #tpu.memory_space<vmem>> -> memref<1x80x128xf32, #tpu.memory_space<vmem>>
        %dma_start3A_281 = tpu.memref_squeeze %dma_start3A_280 : memref<1x80x128xf32, #tpu.memory_space<vmem>> -> memref<80x128xf32, #tpu.memory_space<vmem>>
        %dma_start3A_282 = arith.constant 0 : i32
        %dma_start3A_283 = tpu.memref_slice %arg6[%rem3A_125, %add3A_276, %dma_start3A_282] : memref<2x25x80xi32, #tpu.memory_space<vmem>> -> memref<1x1x80xi32, #tpu.memory_space<vmem>>
        %dma_start3A_284 = tpu.memref_squeeze %dma_start3A_283 : memref<1x1x80xi32, #tpu.memory_space<vmem>> -> memref<80xi32, #tpu.memory_space<vmem>>
        %dma_start3A_285 = arith.constant 0 : i32
        %dma_start3A_286 = arith.constant 0 : i32
        %dma_start3A_287 = tpu.memref_slice %arg8[%dma_start3A_285, %dma_start3A_286] : memref<10000x128xf32, #tpu.memory_space<vmem_shared>> -> memref<10000x128xf32, #tpu.memory_space<vmem_shared>>
        tpu.enqueue_indirect_dma source(%dma_start3A_281 : memref<80x128xf32, #tpu.memory_space<vmem>>) target(%dma_start3A_287 : memref<10000x128xf32, #tpu.memory_space<vmem_shared>>) offsets(%dma_start3A_284 : memref<80xi32, #tpu.memory_space<vmem>>) semaphore(%arg13 : memref<!tpu.dma_semaphore, #tpu.memory_space<semaphore_mem>>) {add = true}
        %add3A_288 = arith.constant 1 : i32
        %add3A_289 = arith.addi %mul3A_198, %add3A_288 : i32
        %dma_wait3A_290 = arith.constant 1 : i32
        %dma_wait3A_291 = arith.constant 0 : i32
        %dma_wait3A_292 = arith.constant 0 : i32
        %dma_wait3A_293 = tpu.memref_slice %arg7[%dma_wait3A_290, %dma_wait3A_291, %dma_wait3A_292] : memref<3x80x128xf32, #tpu.memory_space<vmem>> -> memref<1x80x128xf32, #tpu.memory_space<vmem>>
        %dma_wait3A_294 = tpu.memref_squeeze %dma_wait3A_293 : memref<1x80x128xf32, #tpu.memory_space<vmem>> -> memref<80x128xf32, #tpu.memory_space<vmem>>
        %dma_wait3A_295 = arith.constant 0 : i32
        %dma_wait3A_296 = tpu.memref_slice %arg6[%rem3A_125, %add3A_289, %dma_wait3A_295] : memref<2x25x80xi32, #tpu.memory_space<vmem>> -> memref<1x1x80xi32, #tpu.memory_space<vmem>>
        %dma_wait3A_297 = tpu.memref_squeeze %dma_wait3A_296 : memref<1x1x80xi32, #tpu.memory_space<vmem>> -> memref<80xi32, #tpu.memory_space<vmem>>
        %dma_wait3A_298 = arith.constant 0 : i32
        %dma_wait3A_299 = arith.constant 0 : i32
        %dma_wait3A_300 = tpu.memref_slice %arg8[%dma_wait3A_298, %dma_wait3A_299] : memref<10000x128xf32, #tpu.memory_space<vmem_shared>> -> memref<10000x128xf32, #tpu.memory_space<vmem_shared>>
        tpu.wait_indirect_dma semaphore(%arg13 : memref<!tpu.dma_semaphore, #tpu.memory_space<semaphore_mem>>) src(%dma_wait3A_294 : memref<80x128xf32, #tpu.memory_space<vmem>>) dst(%dma_wait3A_300 : memref<10000x128xf32, #tpu.memory_space<vmem_shared>>)
        %add3A_301 = arith.constant 4 : i32
        %add3A_302 = arith.addi %mul3A_198, %add3A_301 : i32
        %lt3A_303 = arith.constant 25 : i32
        %lt3A_304 = arith.cmpi slt, %add3A_302, %lt3A_303 : i32
        %convert_element_type3A_305 = arith.extui %lt3A_304 : i1 to i32
        %cond3A_306 = arith.constant 0 : i32
        %cond3A_307 = arith.cmpi ne, %convert_element_type3A_305, %cond3A_306 : i32
        scf.if %cond3A_307 {
          %add3A_335 = arith.constant 4 : i32
          %add3A_336 = arith.addi %mul3A_198, %add3A_335 : i32
          %dma_start3A_337 = arith.constant 1 : i32
          %dma_start3A_338 = arith.constant 0 : i32
          %dma_start3A_339 = arith.constant 0 : i32
          %dma_start3A_340 = tpu.memref_slice %arg7[%dma_start3A_337, %dma_start3A_338, %dma_start3A_339] : memref<3x80x128xf32, #tpu.memory_space<vmem>> -> memref<1x80x128xf32, #tpu.memory_space<vmem>>
          %dma_start3A_341 = tpu.memref_squeeze %dma_start3A_340 : memref<1x80x128xf32, #tpu.memory_space<vmem>> -> memref<80x128xf32, #tpu.memory_space<vmem>>
          %dma_start3A_342 = arith.constant 0 : i32
          %dma_start3A_343 = tpu.memref_slice %arg5[%rem3A_125, %add3A_336, %dma_start3A_342] : memref<2x25x80xi32, #tpu.memory_space<vmem>> -> memref<1x1x80xi32, #tpu.memory_space<vmem>>
          %dma_start3A_344 = tpu.memref_squeeze %dma_start3A_343 : memref<1x1x80xi32, #tpu.memory_space<vmem>> -> memref<80xi32, #tpu.memory_space<vmem>>
          %dma_start3A_345 = arith.constant 0 : i32
          %dma_start3A_346 = arith.constant 0 : i32
          %dma_start3A_347 = tpu.memref_slice %arg2[%dma_start3A_345, %dma_start3A_346] : memref<10000x128xf32, #tpu.memory_space<hbm>> -> memref<10000x128xf32, #tpu.memory_space<hbm>>
          tpu.enqueue_indirect_dma source(%dma_start3A_347 : memref<10000x128xf32, #tpu.memory_space<hbm>>) target(%dma_start3A_341 : memref<80x128xf32, #tpu.memory_space<vmem>>) offsets(%dma_start3A_344 : memref<80xi32, #tpu.memory_space<vmem>>) semaphore(%arg10 : memref<!tpu.dma_semaphore, #tpu.memory_space<semaphore_mem>>)
        } else {
        }
        %add3A_308 = arith.constant 2 : i32
        %add3A_309 = arith.addi %mul3A_198, %add3A_308 : i32
        %dma_wait3A_310 = arith.constant 2 : i32
        %dma_wait3A_311 = arith.constant 0 : i32
        %dma_wait3A_312 = arith.constant 0 : i32
        %dma_wait3A_313 = tpu.memref_slice %arg7[%dma_wait3A_310, %dma_wait3A_311, %dma_wait3A_312] : memref<3x80x128xf32, #tpu.memory_space<vmem>> -> memref<1x80x128xf32, #tpu.memory_space<vmem>>
        %dma_wait3A_314 = tpu.memref_squeeze %dma_wait3A_313 : memref<1x80x128xf32, #tpu.memory_space<vmem>> -> memref<80x128xf32, #tpu.memory_space<vmem>>
        %dma_wait3A_315 = arith.constant 0 : i32
        %dma_wait3A_316 = tpu.memref_slice %arg5[%rem3A_125, %add3A_309, %dma_wait3A_315] : memref<2x25x80xi32, #tpu.memory_space<vmem>> -> memref<1x1x80xi32, #tpu.memory_space<vmem>>
        %dma_wait3A_317 = tpu.memref_squeeze %dma_wait3A_316 : memref<1x1x80xi32, #tpu.memory_space<vmem>> -> memref<80xi32, #tpu.memory_space<vmem>>
        %dma_wait3A_318 = arith.constant 0 : i32
        %dma_wait3A_319 = arith.constant 0 : i32
        %dma_wait3A_320 = tpu.memref_slice %arg2[%dma_wait3A_318, %dma_wait3A_319] : memref<10000x128xf32, #tpu.memory_space<hbm>> -> memref<10000x128xf32, #tpu.memory_space<hbm>>
        tpu.wait_indirect_dma semaphore(%arg11 : memref<!tpu.dma_semaphore, #tpu.memory_space<semaphore_mem>>) src(%dma_wait3A_320 : memref<10000x128xf32, #tpu.memory_space<hbm>>) dst(%dma_wait3A_314 : memref<80x128xf32, #tpu.memory_space<vmem>>)
        %add3A_321 = arith.constant 2 : i32
        %add3A_322 = arith.addi %mul3A_198, %add3A_321 : i32
        %dma_start3A_323 = arith.constant 2 : i32
        %dma_start3A_324 = arith.constant 0 : i32
        %dma_start3A_325 = arith.constant 0 : i32
        %dma_start3A_326 = tpu.memref_slice %arg7[%dma_start3A_323, %dma_start3A_324, %dma_start3A_325] : memref<3x80x128xf32, #tpu.memory_space<vmem>> -> memref<1x80x128xf32, #tpu.memory_space<vmem>>
        %dma_start3A_327 = tpu.memref_squeeze %dma_start3A_326 : memref<1x80x128xf32, #tpu.memory_space<vmem>> -> memref<80x128xf32, #tpu.memory_space<vmem>>
        %dma_start3A_328 = arith.constant 0 : i32
        %dma_start3A_329 = tpu.memref_slice %arg6[%rem3A_125, %add3A_322, %dma_start3A_328] : memref<2x25x80xi32, #tpu.memory_space<vmem>> -> memref<1x1x80xi32, #tpu.memory_space<vmem>>
        %dma_start3A_330 = tpu.memref_squeeze %dma_start3A_329 : memref<1x1x80xi32, #tpu.memory_space<vmem>> -> memref<80xi32, #tpu.memory_space<vmem>>
        %dma_start3A_331 = arith.constant 0 : i32
        %dma_start3A_332 = arith.constant 0 : i32
        %dma_start3A_333 = tpu.memref_slice %arg8[%dma_start3A_331, %dma_start3A_332] : memref<10000x128xf32, #tpu.memory_space<vmem_shared>> -> memref<10000x128xf32, #tpu.memory_space<vmem_shared>>
        tpu.enqueue_indirect_dma source(%dma_start3A_327 : memref<80x128xf32, #tpu.memory_space<vmem>>) target(%dma_start3A_333 : memref<10000x128xf32, #tpu.memory_space<vmem_shared>>) offsets(%dma_start3A_330 : memref<80xi32, #tpu.memory_space<vmem>>) semaphore(%arg14 : memref<!tpu.dma_semaphore, #tpu.memory_space<semaphore_mem>>) {add = true}
        %scan3A_334 = arith.constant 0 : i32
        scf.yield %scan3A_334 : i32
      }
      %scan3A_138 = arith.constant 8 : i32
      %dma_wait3A_139 = arith.constant 2 : i32
      %dma_wait3A_140 = arith.constant 23 : i32
      %dma_wait3A_141 = arith.constant 0 : i32
      %dma_wait3A_142 = arith.constant 0 : i32
      %dma_wait3A_143 = tpu.memref_slice %arg7[%dma_wait3A_139, %dma_wait3A_141, %dma_wait3A_142] : memref<3x80x128xf32, #tpu.memory_space<vmem>> -> memref<1x80x128xf32, #tpu.memory_space<vmem>>
      %dma_wait3A_144 = tpu.memref_squeeze %dma_wait3A_143 : memref<1x80x128xf32, #tpu.memory_space<vmem>> -> memref<80x128xf32, #tpu.memory_space<vmem>>
      %dma_wait3A_145 = arith.constant 0 : i32
      %dma_wait3A_146 = tpu.memref_slice %arg6[%rem3A_125, %dma_wait3A_140, %dma_wait3A_145] : memref<2x25x80xi32, #tpu.memory_space<vmem>> -> memref<1x1x80xi32, #tpu.memory_space<vmem>>
      %dma_wait3A_147 = tpu.memref_squeeze %dma_wait3A_146 : memref<1x1x80xi32, #tpu.memory_space<vmem>> -> memref<80xi32, #tpu.memory_space<vmem>>
      %dma_wait3A_148 = arith.constant 0 : i32
      %dma_wait3A_149 = arith.constant 0 : i32
      %dma_wait3A_150 = tpu.memref_slice %arg8[%dma_wait3A_148, %dma_wait3A_149] : memref<10000x128xf32, #tpu.memory_space<vmem_shared>> -> memref<10000x128xf32, #tpu.memory_space<vmem_shared>>
      tpu.wait_indirect_dma semaphore(%arg14 : memref<!tpu.dma_semaphore, #tpu.memory_space<semaphore_mem>>) src(%dma_wait3A_144 : memref<80x128xf32, #tpu.memory_space<vmem>>) dst(%dma_wait3A_150 : memref<10000x128xf32, #tpu.memory_space<vmem_shared>>)
      %dma_wait3A_151 = arith.constant 24 : i32
      %dma_wait3A_152 = arith.constant 0 : i32
      %dma_wait3A_153 = arith.constant 0 : i32
      %dma_wait3A_154 = arith.constant 0 : i32
      %dma_wait3A_155 = tpu.memref_slice %arg7[%dma_wait3A_152, %dma_wait3A_153, %dma_wait3A_154] : memref<3x80x128xf32, #tpu.memory_space<vmem>> -> memref<1x80x128xf32, #tpu.memory_space<vmem>>
      %dma_wait3A_156 = tpu.memref_squeeze %dma_wait3A_155 : memref<1x80x128xf32, #tpu.memory_space<vmem>> -> memref<80x128xf32, #tpu.memory_space<vmem>>
      %dma_wait3A_157 = arith.constant 0 : i32
      %dma_wait3A_158 = tpu.memref_slice %arg5[%rem3A_125, %dma_wait3A_151, %dma_wait3A_157] : memref<2x25x80xi32, #tpu.memory_space<vmem>> -> memref<1x1x80xi32, #tpu.memory_space<vmem>>
      %dma_wait3A_159 = tpu.memref_squeeze %dma_wait3A_158 : memref<1x1x80xi32, #tpu.memory_space<vmem>> -> memref<80xi32, #tpu.memory_space<vmem>>
      %dma_wait3A_160 = arith.constant 0 : i32
      %dma_wait3A_161 = arith.constant 0 : i32
      %dma_wait3A_162 = tpu.memref_slice %arg2[%dma_wait3A_160, %dma_wait3A_161] : memref<10000x128xf32, #tpu.memory_space<hbm>> -> memref<10000x128xf32, #tpu.memory_space<hbm>>
      tpu.wait_indirect_dma semaphore(%arg9 : memref<!tpu.dma_semaphore, #tpu.memory_space<semaphore_mem>>) src(%dma_wait3A_162 : memref<10000x128xf32, #tpu.memory_space<hbm>>) dst(%dma_wait3A_156 : memref<80x128xf32, #tpu.memory_space<vmem>>)
      %dma_start3A_163 = arith.constant 0 : i32
      %dma_start3A_164 = arith.constant 24 : i32
      %dma_start3A_165 = arith.constant 0 : i32
      %dma_start3A_166 = arith.constant 0 : i32
      %dma_start3A_167 = tpu.memref_slice %arg7[%dma_start3A_163, %dma_start3A_165, %dma_start3A_166] : memref<3x80x128xf32, #tpu.memory_space<vmem>> -> memref<1x80x128xf32, #tpu.memory_space<vmem>>
      %dma_start3A_168 = tpu.memref_squeeze %dma_start3A_167 : memref<1x80x128xf32, #tpu.memory_space<vmem>> -> memref<80x128xf32, #tpu.memory_space<vmem>>
      %dma_start3A_169 = arith.constant 0 : i32
      %dma_start3A_170 = tpu.memref_slice %arg6[%rem3A_125, %dma_start3A_164, %dma_start3A_169] : memref<2x25x80xi32, #tpu.memory_space<vmem>> -> memref<1x1x80xi32, #tpu.memory_space<vmem>>
      %dma_start3A_171 = tpu.memref_squeeze %dma_start3A_170 : memref<1x1x80xi32, #tpu.memory_space<vmem>> -> memref<80xi32, #tpu.memory_space<vmem>>
      %dma_start3A_172 = arith.constant 0 : i32
      %dma_start3A_173 = arith.constant 0 : i32
      %dma_start3A_174 = tpu.memref_slice %arg8[%dma_start3A_172, %dma_start3A_173] : memref<10000x128xf32, #tpu.memory_space<vmem_shared>> -> memref<10000x128xf32, #tpu.memory_space<vmem_shared>>
      tpu.enqueue_indirect_dma source(%dma_start3A_168 : memref<80x128xf32, #tpu.memory_space<vmem>>) target(%dma_start3A_174 : memref<10000x128xf32, #tpu.memory_space<vmem_shared>>) offsets(%dma_start3A_171 : memref<80xi32, #tpu.memory_space<vmem>>) semaphore(%arg12 : memref<!tpu.dma_semaphore, #tpu.memory_space<semaphore_mem>>) {add = true}
      %dma_wait3A_175 = arith.constant 0 : i32
      %dma_wait3A_176 = arith.constant 24 : i32
      %dma_wait3A_177 = arith.constant 0 : i32
      %dma_wait3A_178 = arith.constant 0 : i32
      %dma_wait3A_179 = tpu.memref_slice %arg7[%dma_wait3A_175, %dma_wait3A_177, %dma_wait3A_178] : memref<3x80x128xf32, #tpu.memory_space<vmem>> -> memref<1x80x128xf32, #tpu.memory_space<vmem>>
      %dma_wait3A_180 = tpu.memref_squeeze %dma_wait3A_179 : memref<1x80x128xf32, #tpu.memory_space<vmem>> -> memref<80x128xf32, #tpu.memory_space<vmem>>
      %dma_wait3A_181 = arith.constant 0 : i32
      %dma_wait3A_182 = tpu.memref_slice %arg6[%rem3A_125, %dma_wait3A_176, %dma_wait3A_181] : memref<2x25x80xi32, #tpu.memory_space<vmem>> -> memref<1x1x80xi32, #tpu.memory_space<vmem>>
      %dma_wait3A_183 = tpu.memref_squeeze %dma_wait3A_182 : memref<1x1x80xi32, #tpu.memory_space<vmem>> -> memref<80xi32, #tpu.memory_space<vmem>>
      %dma_wait3A_184 = arith.constant 0 : i32
      %dma_wait3A_185 = arith.constant 0 : i32
      %dma_wait3A_186 = tpu.memref_slice %arg8[%dma_wait3A_184, %dma_wait3A_185] : memref<10000x128xf32, #tpu.memory_space<vmem_shared>> -> memref<10000x128xf32, #tpu.memory_space<vmem_shared>>
      tpu.wait_indirect_dma semaphore(%arg12 : memref<!tpu.dma_semaphore, #tpu.memory_space<semaphore_mem>>) src(%dma_wait3A_180 : memref<80x128xf32, #tpu.memory_space<vmem>>) dst(%dma_wait3A_186 : memref<10000x128xf32, #tpu.memory_space<vmem_shared>>)
      %add3A_187 = arith.constant 1 : i32
      %add3A_188 = arith.addi %scan3A_123, %add3A_187 : i32
      %lt3A_189 = arith.constant 5 : i32
      %lt3A_190 = arith.cmpi slt, %add3A_188, %lt3A_189 : i32
      %convert_element_type3A_191 = arith.extui %lt3A_190 : i1 to i32
      %cond3A_192 = arith.constant 0 : i32
      %cond3A_193 = arith.cmpi ne, %convert_element_type3A_191, %cond3A_192 : i32
      scf.if %cond3A_193 {
        %add3A_195 = arith.constant 1 : i32
        %add3A_196 = arith.addi %scan3A_123, %add3A_195 : i32
        %sub3A = arith.constant 1 : i32
        %sub3A_197 = arith.subi %sub3A, %rem3A_125 : i32
        %dma_wait3A_198 = arith.constant 0 : i32
        %dma_wait3A_199 = arith.constant 0 : i32
        %dma_wait3A_200 = arith.constant 0 : i32
        %dma_wait3A_201 = tpu.memref_slice %arg5[%sub3A_197, %dma_wait3A_199, %dma_wait3A_200] : memref<2x25x80xi32, #tpu.memory_space<vmem>> -> memref<1x25x80xi32, #tpu.memory_space<vmem>>
        %dma_wait3A_202 = tpu.memref_squeeze %dma_wait3A_201 : memref<1x25x80xi32, #tpu.memory_space<vmem>> -> memref<25x80xi32, #tpu.memory_space<vmem>>
        %dma_wait3A_203 = arith.constant 0 : i32
        %dma_wait3A_204 = arith.constant 0 : i32
        %dma_wait3A_205 = tpu.memref_slice %arg3[%dma_wait3A_198, %add3A, %add3A_196, %dma_wait3A_203, %dma_wait3A_204] : memref<2x32x5x25x80xi32, #tpu.memory_space<hbm>> -> memref<1x1x1x25x80xi32, #tpu.memory_space<hbm>>
        %dma_wait3A_206 = tpu.memref_squeeze %dma_wait3A_205 : memref<1x1x1x25x80xi32, #tpu.memory_space<hbm>> -> memref<25x80xi32, #tpu.memory_space<hbm>>
        %dma_wait3A_207 = arith.constant 0 : i32
        %dma_wait3A_208 = arith.constant 0 : i32
        %dma_wait3A_209 = tpu.memref_slice %arg5[%sub3A_197, %dma_wait3A_207, %dma_wait3A_208] : memref<2x25x80xi32, #tpu.memory_space<vmem>> -> memref<1x25x80xi32, #tpu.memory_space<vmem>>
        %dma_wait3A_210 = tpu.memref_squeeze %dma_wait3A_209 : memref<1x25x80xi32, #tpu.memory_space<vmem>> -> memref<25x80xi32, #tpu.memory_space<vmem>>
        %dma_wait3A_211 = arith.constant 0 : i32
        %dma_wait3A_212 = arith.constant 0 : i32
        %dma_wait3A_213 = tpu.memref_slice %arg3[%dma_wait3A_198, %add3A, %add3A_196, %dma_wait3A_211, %dma_wait3A_212] : memref<2x32x5x25x80xi32, #tpu.memory_space<hbm>> -> memref<1x1x1x25x80xi32, #tpu.memory_space<hbm>>
        %dma_wait3A_214 = tpu.memref_squeeze %dma_wait3A_213 : memref<1x1x1x25x80xi32, #tpu.memory_space<hbm>> -> memref<25x80xi32, #tpu.memory_space<hbm>>
        tpu.wait_dma2 semaphore(%arg15 : memref<!tpu.dma_semaphore, #tpu.memory_space<semaphore_mem>>) src(%dma_wait3A_214 : memref<25x80xi32, #tpu.memory_space<hbm>>) dst(%dma_wait3A_210 : memref<25x80xi32, #tpu.memory_space<vmem>>)
        %dma_wait3A_215 = arith.constant 1 : i32
        %dma_wait3A_216 = arith.constant 0 : i32
        %dma_wait3A_217 = arith.constant 0 : i32
        %dma_wait3A_218 = tpu.memref_slice %arg6[%sub3A_197, %dma_wait3A_216, %dma_wait3A_217] : memref<2x25x80xi32, #tpu.memory_space<vmem>> -> memref<1x25x80xi32, #tpu.memory_space<vmem>>
        %dma_wait3A_219 = tpu.memref_squeeze %dma_wait3A_218 : memref<1x25x80xi32, #tpu.memory_space<vmem>> -> memref<25x80xi32, #tpu.memory_space<vmem>>
        %dma_wait3A_220 = arith.constant 0 : i32
        %dma_wait3A_221 = arith.constant 0 : i32
        %dma_wait3A_222 = tpu.memref_slice %arg3[%dma_wait3A_215, %add3A, %add3A_196, %dma_wait3A_220, %dma_wait3A_221] : memref<2x32x5x25x80xi32, #tpu.memory_space<hbm>> -> memref<1x1x1x25x80xi32, #tpu.memory_space<hbm>>
        %dma_wait3A_223 = tpu.memref_squeeze %dma_wait3A_222 : memref<1x1x1x25x80xi32, #tpu.memory_space<hbm>> -> memref<25x80xi32, #tpu.memory_space<hbm>>
        %dma_wait3A_224 = arith.constant 0 : i32
        %dma_wait3A_225 = arith.constant 0 : i32
        %dma_wait3A_226 = tpu.memref_slice %arg6[%sub3A_197, %dma_wait3A_224, %dma_wait3A_225] : memref<2x25x80xi32, #tpu.memory_space<vmem>> -> memref<1x25x80xi32, #tpu.memory_space<vmem>>
        %dma_wait3A_227 = tpu.memref_squeeze %dma_wait3A_226 : memref<1x25x80xi32, #tpu.memory_space<vmem>> -> memref<25x80xi32, #tpu.memory_space<vmem>>
        %dma_wait3A_228 = arith.constant 0 : i32
        %dma_wait3A_229 = arith.constant 0 : i32
        %dma_wait3A_230 = tpu.memref_slice %arg3[%dma_wait3A_215, %add3A, %add3A_196, %dma_wait3A_228, %dma_wait3A_229] : memref<2x32x5x25x80xi32, #tpu.memory_space<hbm>> -> memref<1x1x1x25x80xi32, #tpu.memory_space<hbm>>
        %dma_wait3A_231 = tpu.memref_squeeze %dma_wait3A_230 : memref<1x1x1x25x80xi32, #tpu.memory_space<hbm>> -> memref<25x80xi32, #tpu.memory_space<hbm>>
        tpu.wait_dma2 semaphore(%arg15 : memref<!tpu.dma_semaphore, #tpu.memory_space<semaphore_mem>>) src(%dma_wait3A_231 : memref<25x80xi32, #tpu.memory_space<hbm>>) dst(%dma_wait3A_227 : memref<25x80xi32, #tpu.memory_space<vmem>>)
        %sub3A_232 = arith.constant 1 : i32
        %sub3A_233 = arith.subi %sub3A_232, %rem3A_125 : i32
        %dma_start3A_234 = arith.constant 0 : i32
        %dma_start3A_235 = arith.constant 0 : i32
        %dma_start3A_236 = arith.constant 0 : i32
        %dma_start3A_237 = arith.constant 0 : i32
        %dma_start3A_238 = tpu.memref_slice %arg7[%dma_start3A_235, %dma_start3A_236, %dma_start3A_237] : memref<3x80x128xf32, #tpu.memory_space<vmem>> -> memref<1x80x128xf32, #tpu.memory_space<vmem>>
        %dma_start3A_239 = tpu.memref_squeeze %dma_start3A_238 : memref<1x80x128xf32, #tpu.memory_space<vmem>> -> memref<80x128xf32, #tpu.memory_space<vmem>>
        %dma_start3A_240 = arith.constant 0 : i32
        %dma_start3A_241 = tpu.memref_slice %arg5[%sub3A_233, %dma_start3A_234, %dma_start3A_240] : memref<2x25x80xi32, #tpu.memory_space<vmem>> -> memref<1x1x80xi32, #tpu.memory_space<vmem>>
        %dma_start3A_242 = tpu.memref_squeeze %dma_start3A_241 : memref<1x1x80xi32, #tpu.memory_space<vmem>> -> memref<80xi32, #tpu.memory_space<vmem>>
        %dma_start3A_243 = arith.constant 0 : i32
        %dma_start3A_244 = arith.constant 0 : i32
        %dma_start3A_245 = tpu.memref_slice %arg2[%dma_start3A_243, %dma_start3A_244] : memref<10000x128xf32, #tpu.memory_space<hbm>> -> memref<10000x128xf32, #tpu.memory_space<hbm>>
        tpu.enqueue_indirect_dma source(%dma_start3A_245 : memref<10000x128xf32, #tpu.memory_space<hbm>>) target(%dma_start3A_239 : memref<80x128xf32, #tpu.memory_space<vmem>>) offsets(%dma_start3A_242 : memref<80xi32, #tpu.memory_space<vmem>>) semaphore(%arg9 : memref<!tpu.dma_semaphore, #tpu.memory_space<semaphore_mem>>)
        %sub3A_246 = arith.constant 1 : i32
        %sub3A_247 = arith.subi %sub3A_246, %rem3A_125 : i32
        %dma_start3A_248 = arith.constant 1 : i32
        %dma_start3A_249 = arith.constant 1 : i32
        %dma_start3A_250 = arith.constant 0 : i32
        %dma_start3A_251 = arith.constant 0 : i32
        %dma_start3A_252 = tpu.memref_slice %arg7[%dma_start3A_249, %dma_start3A_250, %dma_start3A_251] : memref<3x80x128xf32, #tpu.memory_space<vmem>> -> memref<1x80x128xf32, #tpu.memory_space<vmem>>
        %dma_start3A_253 = tpu.memref_squeeze %dma_start3A_252 : memref<1x80x128xf32, #tpu.memory_space<vmem>> -> memref<80x128xf32, #tpu.memory_space<vmem>>
        %dma_start3A_254 = arith.constant 0 : i32
        %dma_start3A_255 = tpu.memref_slice %arg5[%sub3A_247, %dma_start3A_248, %dma_start3A_254] : memref<2x25x80xi32, #tpu.memory_space<vmem>> -> memref<1x1x80xi32, #tpu.memory_space<vmem>>
        %dma_start3A_256 = tpu.memref_squeeze %dma_start3A_255 : memref<1x1x80xi32, #tpu.memory_space<vmem>> -> memref<80xi32, #tpu.memory_space<vmem>>
        %dma_start3A_257 = arith.constant 0 : i32
        %dma_start3A_258 = arith.constant 0 : i32
        %dma_start3A_259 = tpu.memref_slice %arg2[%dma_start3A_257, %dma_start3A_258] : memref<10000x128xf32, #tpu.memory_space<hbm>> -> memref<10000x128xf32, #tpu.memory_space<hbm>>
        tpu.enqueue_indirect_dma source(%dma_start3A_259 : memref<10000x128xf32, #tpu.memory_space<hbm>>) target(%dma_start3A_253 : memref<80x128xf32, #tpu.memory_space<vmem>>) offsets(%dma_start3A_256 : memref<80xi32, #tpu.memory_space<vmem>>) semaphore(%arg10 : memref<!tpu.dma_semaphore, #tpu.memory_space<semaphore_mem>>)
      } else {
      }
      %scan3A_194 = arith.constant 0 : i32
      scf.yield %scan3A_194 : i32
    }
    %scan3A_112 = arith.constant 5 : i32
    %barrier3A_113 = arith.constant 0 : index
    tpu.barrier barrier_id(%barrier3A_113)
    %mul3A_114 = arith.constant 624 : i32
    %mul3A_115 = arith.muli %arg1, %mul3A_114 : i32
    %mul3A_116 = arith.constant 624 : i32
    %mul3A_117 = arith.muli %arg1, %mul3A_116 : i32
    "tpu.region"() ({
      %run_scoped3A = tpu.sem_alloc : memref<!tpu.dma_semaphore, #tpu.memory_space<semaphore_mem>>
      %dma_start3A_123 = arith.constant 0 : i32
      %dma_start3A_124 = tpu.memref_slice %arg4[%arg0, %mul3A_117, %dma_start3A_123] : memref<2x10000x128xf32, #tpu.memory_space<hbm>> -> memref<1x624x128xf32, #tpu.memory_space<hbm>>
      %dma_start3A_125 = tpu.memref_squeeze %dma_start3A_124 : memref<1x624x128xf32, #tpu.memory_space<hbm>> -> memref<624x128xf32, #tpu.memory_space<hbm>>
      %dma_start3A_126 = arith.constant 0 : i32
      %dma_start3A_127 = tpu.memref_slice %arg8[%mul3A_115, %dma_start3A_126] : memref<10000x128xf32, #tpu.memory_space<vmem_shared>> -> memref<624x128xf32, #tpu.memory_space<vmem_shared>>
      tpu.enqueue_dma source(%dma_start3A_127 : memref<624x128xf32, #tpu.memory_space<vmem_shared>>) target(%dma_start3A_125 : memref<624x128xf32, #tpu.memory_space<hbm>>) target_semaphore(%run_scoped3A : memref<!tpu.dma_semaphore, #tpu.memory_space<semaphore_mem>>)
      %dma_wait3A_128 = arith.constant 0 : i32
      %dma_wait3A_129 = tpu.memref_slice %arg4[%arg0, %mul3A_117, %dma_wait3A_128] : memref<2x10000x128xf32, #tpu.memory_space<hbm>> -> memref<1x624x128xf32, #tpu.memory_space<hbm>>
      %dma_wait3A_130 = tpu.memref_squeeze %dma_wait3A_129 : memref<1x624x128xf32, #tpu.memory_space<hbm>> -> memref<624x128xf32, #tpu.memory_space<hbm>>
      %dma_wait3A_131 = arith.constant 0 : i32
      %dma_wait3A_132 = tpu.memref_slice %arg8[%mul3A_115, %dma_wait3A_131] : memref<10000x128xf32, #tpu.memory_space<vmem_shared>> -> memref<624x128xf32, #tpu.memory_space<vmem_shared>>
      tpu.wait_dma2 semaphore(%run_scoped3A : memref<!tpu.dma_semaphore, #tpu.memory_space<semaphore_mem>>) src(%dma_wait3A_132 : memref<624x128xf32, #tpu.memory_space<vmem_shared>>) dst(%dma_wait3A_130 : memref<624x128xf32, #tpu.memory_space<hbm>>)
      tpu.yield
    }) : () -> ()
    %eq3A_118 = arith.constant 0 : i32
    %eq3A_119 = arith.cmpi eq, %arg1, %eq3A_118 : i32
    %convert_element_type3A_120 = arith.extui %eq3A_119 : i1 to i32
    %cond3A_121 = arith.constant 0 : i32
    %cond3A_122 = arith.cmpi ne, %convert_element_type3A_120, %cond3A_121 : i32
    scf.if %cond3A_122 {
      "tpu.region"() ({
        %run_scoped3A = tpu.sem_alloc : memref<!tpu.dma_semaphore, #tpu.memory_space<semaphore_mem>>
        %dma_start3A_123 = arith.constant 9984 : i32
        %dma_start3A_124 = arith.constant 0 : i32
        %dma_start3A_125 = tpu.memref_slice %arg4[%arg0, %dma_start3A_123, %dma_start3A_124] : memref<2x10000x128xf32, #tpu.memory_space<hbm>> -> memref<1x16x128xf32, #tpu.memory_space<hbm>>
        %dma_start3A_126 = tpu.memref_squeeze %dma_start3A_125 : memref<1x16x128xf32, #tpu.memory_space<hbm>> -> memref<16x128xf32, #tpu.memory_space<hbm>>
        %dma_start3A_127 = arith.constant 9984 : i32
        %dma_start3A_128 = arith.constant 0 : i32
        %dma_start3A_129 = tpu.memref_slice %arg8[%dma_start3A_127, %dma_start3A_128] : memref<10000x128xf32, #tpu.memory_space<vmem_shared>> -> memref<16x128xf32, #tpu.memory_space<vmem_shared>>
        tpu.enqueue_dma source(%dma_start3A_129 : memref<16x128xf32, #tpu.memory_space<vmem_shared>>) target(%dma_start3A_126 : memref<16x128xf32, #tpu.memory_space<hbm>>) target_semaphore(%run_scoped3A : memref<!tpu.dma_semaphore, #tpu.memory_space<semaphore_mem>>)
        %dma_wait3A_130 = arith.constant 9984 : i32
        %dma_wait3A_131 = arith.constant 0 : i32
        %dma_wait3A_132 = tpu.memref_slice %arg4[%arg0, %dma_wait3A_130, %dma_wait3A_131] : memref<2x10000x128xf32, #tpu.memory_space<hbm>> -> memref<1x16x128xf32, #tpu.memory_space<hbm>>
        %dma_wait3A_133 = tpu.memref_squeeze %dma_wait3A_132 : memref<1x16x128xf32, #tpu.memory_space<hbm>> -> memref<16x128xf32, #tpu.memory_space<hbm>>
        %dma_wait3A_134 = arith.constant 9984 : i32
        %dma_wait3A_135 = arith.constant 0 : i32
        %dma_wait3A_136 = tpu.memref_slice %arg8[%dma_wait3A_134, %dma_wait3A_135] : memref<10000x128xf32, #tpu.memory_space<vmem_shared>> -> memref<16x128xf32, #tpu.memory_space<vmem_shared>>
        tpu.wait_dma2 semaphore(%run_scoped3A : memref<!tpu.dma_semaphore, #tpu.memory_space<semaphore_mem>>) src(%dma_wait3A_136 : memref<16x128xf32, #tpu.memory_space<vmem_shared>>) dst(%dma_wait3A_133 : memref<16x128xf32, #tpu.memory_space<hbm>>)
        tpu.yield
      }) : () -> ()
    } else {
    }
    return
  }
}

module attributes {stable_mosaic.version = 14 : i64} {
  func.func @_mlp_body(%arg0: i32, %arg1: memref<5000x128xf32, #tpu.memory_space<vmem>>, %arg2: memref<1x5000x128xf32, #tpu.memory_space<vmem>>, %arg3: memref<1x5000x128xf32, #tpu.memory_space<vmem>>, %arg4: memref<128x128xf32, #tpu.memory_space<vmem>>, %arg5: memref<1x128xf32, #tpu.memory_space<vmem>>, %arg6: memref<128x128xf32, #tpu.memory_space<vmem>>, %arg7: memref<1x128xf32, #tpu.memory_space<vmem>>, %arg8: memref<5000x128xf32, #tpu.memory_space<vmem>>) attributes {dimension_semantics = [#tpu.dimension_semantics<arbitrary>], iteration_bounds = array<i64: 2>, scalar_prefetch = 0 : i64, scratch_operands = 0 : i64, tpu.core_type = #tpu.core_type<tc>, window_params = [{transform_indices = @transform_0, window_bounds = array<i64: 5000, 128>}, {transform_indices = @transform_1, window_bounds = array<i64: 1, 5000, 128>}, {transform_indices = @transform_2, window_bounds = array<i64: 1, 5000, 128>}, {pipeline_mode = #tpu.pipeline_mode<synchronous>, transform_indices = @transform_3, window_bounds = array<i64: 128, 128>}, {pipeline_mode = #tpu.pipeline_mode<synchronous>, transform_indices = @transform_4, window_bounds = array<i64: 1, 128>}, {pipeline_mode = #tpu.pipeline_mode<synchronous>, transform_indices = @transform_5, window_bounds = array<i64: 128, 128>}, {pipeline_mode = #tpu.pipeline_mode<synchronous>, transform_indices = @transform_6, window_bounds = array<i64: 1, 128>}, {transform_indices = @transform_7, window_bounds = array<i64: 5000, 128>}]} {
    %get3A = arith.constant 0 : index
    %get3A_0 = arith.constant 0 : index
    %get3A_1 = arith.constant 0 : index
    %get3A_2 = vector.load %arg2[%get3A, %get3A_0, %get3A_1] : memref<1x5000x128xf32, #tpu.memory_space<vmem>>, vector<1x5000x128xf32>
    %get3A_3 = vector.shape_cast %get3A_2 : vector<1x5000x128xf32> to vector<5000x128xf32>
    %get3A_4 = arith.constant 0 : index
    %get3A_5 = arith.constant 0 : index
    %get3A_6 = arith.constant 0 : index
    %get3A_7 = vector.load %arg3[%get3A_4, %get3A_5, %get3A_6] : memref<1x5000x128xf32, #tpu.memory_space<vmem>>, vector<1x5000x128xf32>
    %get3A_8 = vector.shape_cast %get3A_7 : vector<1x5000x128xf32> to vector<5000x128xf32>
    %add3A = arith.addf %get3A_3, %get3A_8 : vector<5000x128xf32>
    %get3A_9 = arith.constant 0 : index
    %get3A_10 = arith.constant 0 : index
    %get3A_11 = vector.load %arg1[%get3A_9, %get3A_10] : memref<5000x128xf32, #tpu.memory_space<vmem>>, vector<5000x128xf32>
    %sub3A = arith.subf %add3A, %get3A_11 : vector<5000x128xf32>
    %get3A_12 = arith.constant 0 : index
    %get3A_13 = arith.constant 0 : index
    %get3A_14 = vector.load %arg4[%get3A_12, %get3A_13] : memref<128x128xf32, #tpu.memory_space<vmem>>, vector<128x128xf32>
    %dot_general3A = arith.constant dense<0.000000e+00> : vector<5000x128xf32>
    %dot_general3A_15 = tpu.matmul %sub3A, %get3A_14, %dot_general3A {dimension_numbers = #tpu.dot_dimension_numbers<[1], [0], [0], [1], [0, 0, 1, 1], [], []>, transpose_lhs_hint = false} : vector<5000x128xf32>, vector<128x128xf32>, vector<5000x128xf32> -> vector<5000x128xf32>
    %get3A_16 = arith.constant 0 : index
    %get3A_17 = arith.constant 0 : index
    %get3A_18 = vector.load %arg5[%get3A_16, %get3A_17] : memref<1x128xf32, #tpu.memory_space<vmem>>, vector<1x128xf32>
    %add3A_19 = vector.broadcast %get3A_18 : vector<1x128xf32> to vector<5000x128xf32>
    %add3A_20 = arith.addf %dot_general3A_15, %add3A_19 : vector<5000x128xf32>
    %max3A = arith.constant 0.000000e+00 : f32
    %max3A_21 = vector.broadcast %max3A : f32 to vector<5000x128xf32>
    %max3A_22 = arith.maximumf %add3A_20, %max3A_21 : vector<5000x128xf32>
    %get3A_23 = arith.constant 0 : index
    %get3A_24 = arith.constant 0 : index
    %get3A_25 = vector.load %arg6[%get3A_23, %get3A_24] : memref<128x128xf32, #tpu.memory_space<vmem>>, vector<128x128xf32>
    %dot_general3A_26 = arith.constant dense<0.000000e+00> : vector<5000x128xf32>
    %dot_general3A_27 = tpu.matmul %max3A_22, %get3A_25, %dot_general3A_26 {dimension_numbers = #tpu.dot_dimension_numbers<[1], [0], [0], [1], [0, 0, 1, 1], [], []>, transpose_lhs_hint = false} : vector<5000x128xf32>, vector<128x128xf32>, vector<5000x128xf32> -> vector<5000x128xf32>
    %get3A_28 = arith.constant 0 : index
    %get3A_29 = arith.constant 0 : index
    %get3A_30 = vector.load %arg7[%get3A_28, %get3A_29] : memref<1x128xf32, #tpu.memory_space<vmem>>, vector<1x128xf32>
    %add3A_31 = vector.broadcast %get3A_30 : vector<1x128xf32> to vector<5000x128xf32>
    %add3A_32 = arith.addf %dot_general3A_27, %add3A_31 : vector<5000x128xf32>
    %max3A_33 = arith.constant 0.000000e+00 : f32
    %max3A_34 = vector.broadcast %max3A_33 : f32 to vector<5000x128xf32>
    %max3A_35 = arith.maximumf %add3A_32, %max3A_34 : vector<5000x128xf32>
    %swap3A = arith.constant 0 : index
    %swap3A_36 = arith.constant 0 : index
    %swap3A_37 = vector.load %arg8[%swap3A, %swap3A_36] : memref<5000x128xf32, #tpu.memory_space<vmem>>, vector<5000x128xf32>
    tpu.vector_store %arg8[%swap3A, %swap3A_36], %max3A_35 {strides = array<i32>} : memref<5000x128xf32, #tpu.memory_space<vmem>>, vector<5000x128xf32>,
    return
  }
  func.func @transform_0(%arg0: i32) -> (i32, i32) {
    %c0_i32 = arith.constant 0 : i32
    %c0_i32_0 = arith.constant 0 : i32
    return %arg0, %c0_i32 : i32, i32
  }
  func.func @transform_1(%arg0: i32) -> (i32, i32, i32) {
    %c0_i32 = arith.constant 0 : i32
    %c0_i32_0 = arith.constant 0 : i32
    %c0_i32_1 = arith.constant 0 : i32
    return %c0_i32, %arg0, %c0_i32_0 : i32, i32, i32
  }
  func.func @transform_2(%arg0: i32) -> (i32, i32, i32) {
    %c1_i32 = arith.constant 1 : i32
    %c0_i32 = arith.constant 0 : i32
    %c0_i32_0 = arith.constant 0 : i32
    return %c1_i32, %arg0, %c0_i32 : i32, i32, i32
  }
  func.func @transform_3(%arg0: i32) -> (i32, i32) {
    %c0_i32 = arith.constant 0 : i32
    %c0_i32_0 = arith.constant 0 : i32
    %c0_i32_1 = arith.constant 0 : i32
    return %c0_i32, %c0_i32_0 : i32, i32
  }
  func.func @transform_4(%arg0: i32) -> (i32, i32) {
    %c0_i32 = arith.constant 0 : i32
    %c0_i32_0 = arith.constant 0 : i32
    %c0_i32_1 = arith.constant 0 : i32
    return %c0_i32, %c0_i32_0 : i32, i32
  }
  func.func @transform_5(%arg0: i32) -> (i32, i32) {
    %c0_i32 = arith.constant 0 : i32
    %c0_i32_0 = arith.constant 0 : i32
    %c0_i32_1 = arith.constant 0 : i32
    return %c0_i32, %c0_i32_0 : i32, i32
  }
  func.func @transform_6(%arg0: i32) -> (i32, i32) {
    %c0_i32 = arith.constant 0 : i32
    %c0_i32_0 = arith.constant 0 : i32
    %c0_i32_1 = arith.constant 0 : i32
    return %c0_i32, %c0_i32_0 : i32, i32
  }
  func.func @transform_7(%arg0: i32) -> (i32, i32) {
    %c0_i32 = arith.constant 0 : i32
    %c0_i32_0 = arith.constant 0 : i32
    return %arg0, %c0_i32 : i32, i32
  }
}

module attributes {stable_mosaic.version = 14 : i64} {
  func.func @_mlp_body(%arg0: i32, %arg1: memref<5000x128xf32, #tpu.memory_space<vmem>>, %arg2: memref<1x5000x128xf32, #tpu.memory_space<vmem>>, %arg3: memref<1x5000x128xf32, #tpu.memory_space<vmem>>, %arg4: memref<128x128xf32, #tpu.memory_space<vmem>>, %arg5: memref<1x128xf32, #tpu.memory_space<vmem>>, %arg6: memref<128x128xf32, #tpu.memory_space<vmem>>, %arg7: memref<1x128xf32, #tpu.memory_space<vmem>>, %arg8: memref<5000x128xf32, #tpu.memory_space<vmem>>) attributes {dimension_semantics = [#tpu.dimension_semantics<arbitrary>], iteration_bounds = array<i64: 2>, scalar_prefetch = 0 : i64, scratch_operands = 0 : i64, tpu.core_type = #tpu.core_type<tc>, window_params = [{transform_indices = @transform_0, window_bounds = array<i64: 5000, 128>}, {transform_indices = @transform_1, window_bounds = array<i64: 1, 5000, 128>}, {transform_indices = @transform_2, window_bounds = array<i64: 1, 5000, 128>}, {pipeline_mode = #tpu.pipeline_mode<synchronous>, transform_indices = @transform_3, window_bounds = array<i64: 128, 128>}, {pipeline_mode = #tpu.pipeline_mode<synchronous>, transform_indices = @transform_4, window_bounds = array<i64: 1, 128>}, {pipeline_mode = #tpu.pipeline_mode<synchronous>, transform_indices = @transform_5, window_bounds = array<i64: 128, 128>}, {pipeline_mode = #tpu.pipeline_mode<synchronous>, transform_indices = @transform_6, window_bounds = array<i64: 1, 128>}, {transform_indices = @transform_7, window_bounds = array<i64: 5000, 128>}]} {
    %get3A = arith.constant 0 : index
    %get3A_0 = arith.constant 0 : index
    %get3A_1 = arith.constant 0 : index
    %get3A_2 = vector.load %arg2[%get3A, %get3A_0, %get3A_1] : memref<1x5000x128xf32, #tpu.memory_space<vmem>>, vector<1x5000x128xf32>
    %get3A_3 = vector.shape_cast %get3A_2 : vector<1x5000x128xf32> to vector<5000x128xf32>
    %get3A_4 = arith.constant 0 : index
    %get3A_5 = arith.constant 0 : index
    %get3A_6 = arith.constant 0 : index
    %get3A_7 = vector.load %arg3[%get3A_4, %get3A_5, %get3A_6] : memref<1x5000x128xf32, #tpu.memory_space<vmem>>, vector<1x5000x128xf32>
    %get3A_8 = vector.shape_cast %get3A_7 : vector<1x5000x128xf32> to vector<5000x128xf32>
    %add3A = arith.addf %get3A_3, %get3A_8 : vector<5000x128xf32>
    %get3A_9 = arith.constant 0 : index
    %get3A_10 = arith.constant 0 : index
    %get3A_11 = vector.load %arg1[%get3A_9, %get3A_10] : memref<5000x128xf32, #tpu.memory_space<vmem>>, vector<5000x128xf32>
    %sub3A = arith.subf %add3A, %get3A_11 : vector<5000x128xf32>
    %get3A_12 = arith.constant 0 : index
    %get3A_13 = arith.constant 0 : index
    %get3A_14 = vector.load %arg4[%get3A_12, %get3A_13] : memref<128x128xf32, #tpu.memory_space<vmem>>, vector<128x128xf32>
    %dot_general3A = arith.constant dense<0.000000e+00> : vector<5000x128xf32>
    %dot_general3A_15 = tpu.matmul %sub3A, %get3A_14, %dot_general3A {dimension_numbers = #tpu.dot_dimension_numbers<[1], [0], [0], [1], [0, 0, 1, 1], [], []>, transpose_lhs_hint = false} : vector<5000x128xf32>, vector<128x128xf32>, vector<5000x128xf32> -> vector<5000x128xf32>
    %get3A_16 = arith.constant 0 : index
    %get3A_17 = arith.constant 0 : index
    %get3A_18 = vector.load %arg5[%get3A_16, %get3A_17] : memref<1x128xf32, #tpu.memory_space<vmem>>, vector<1x128xf32>
    %add3A_19 = vector.broadcast %get3A_18 : vector<1x128xf32> to vector<5000x128xf32>
    %add3A_20 = arith.addf %dot_general3A_15, %add3A_19 : vector<5000x128xf32>
    %max3A = arith.constant 0.000000e+00 : f32
    %max3A_21 = vector.broadcast %max3A : f32 to vector<5000x128xf32>
    %max3A_22 = arith.maximumf %add3A_20, %max3A_21 : vector<5000x128xf32>
    %get3A_23 = arith.constant 0 : index
    %get3A_24 = arith.constant 0 : index
    %get3A_25 = vector.load %arg6[%get3A_23, %get3A_24] : memref<128x128xf32, #tpu.memory_space<vmem>>, vector<128x128xf32>
    %dot_general3A_26 = arith.constant dense<0.000000e+00> : vector<5000x128xf32>
    %dot_general3A_27 = tpu.matmul %max3A_22, %get3A_25, %dot_general3A_26 {dimension_numbers = #tpu.dot_dimension_numbers<[1], [0], [0], [1], [0, 0, 1, 1], [], []>, transpose_lhs_hint = false} : vector<5000x128xf32>, vector<128x128xf32>, vector<5000x128xf32> -> vector<5000x128xf32>
    %get3A_28 = arith.constant 0 : index
    %get3A_29 = arith.constant 0 : index
    %get3A_30 = vector.load %arg7[%get3A_28, %get3A_29] : memref<1x128xf32, #tpu.memory_space<vmem>>, vector<1x128xf32>
    %add3A_31 = vector.broadcast %get3A_30 : vector<1x128xf32> to vector<5000x128xf32>
    %add3A_32 = arith.addf %dot_general3A_27, %add3A_31 : vector<5000x128xf32>
    %max3A_33 = arith.constant 0.000000e+00 : f32
    %max3A_34 = vector.broadcast %max3A_33 : f32 to vector<5000x128xf32>
    %max3A_35 = arith.maximumf %add3A_32, %max3A_34 : vector<5000x128xf32>
    %swap3A = arith.constant 0 : index
    %swap3A_36 = arith.constant 0 : index
    %swap3A_37 = vector.load %arg8[%swap3A, %swap3A_36] : memref<5000x128xf32, #tpu.memory_space<vmem>>, vector<5000x128xf32>
    tpu.vector_store %arg8[%swap3A, %swap3A_36], %max3A_35 {strides = array<i32>} : memref<5000x128xf32, #tpu.memory_space<vmem>>, vector<5000x128xf32>,
    return
  }
  func.func @transform_0(%arg0: i32) -> (i32, i32) {
    %c0_i32 = arith.constant 0 : i32
    %c0_i32_0 = arith.constant 0 : i32
    return %arg0, %c0_i32 : i32, i32
  }
  func.func @transform_1(%arg0: i32) -> (i32, i32, i32) {
    %c0_i32 = arith.constant 0 : i32
    %c0_i32_0 = arith.constant 0 : i32
    %c0_i32_1 = arith.constant 0 : i32
    return %c0_i32, %arg0, %c0_i32_0 : i32, i32, i32
  }
  func.func @transform_2(%arg0: i32) -> (i32, i32, i32) {
    %c1_i32 = arith.constant 1 : i32
    %c0_i32 = arith.constant 0 : i32
    %c0_i32_0 = arith.constant 0 : i32
    return %c1_i32, %arg0, %c0_i32 : i32, i32, i32
  }
  func.func @transform_3(%arg0: i32) -> (i32, i32) {
    %c0_i32 = arith.constant 0 : i32
    %c0_i32_0 = arith.constant 0 : i32
    %c0_i32_1 = arith.constant 0 : i32
    return %c0_i32, %c0_i32_0 : i32, i32
  }
  func.func @transform_4(%arg0: i32) -> (i32, i32) {
    %c0_i32 = arith.constant 0 : i32
    %c0_i32_0 = arith.constant 0 : i32
    %c0_i32_1 = arith.constant 0 : i32
    return %c0_i32, %c0_i32_0 : i32, i32
  }
  func.func @transform_5(%arg0: i32) -> (i32, i32) {
    %c0_i32 = arith.constant 0 : i32
    %c0_i32_0 = arith.constant 0 : i32
    %c0_i32_1 = arith.constant 0 : i32
    return %c0_i32, %c0_i32_0 : i32, i32
  }
  func.func @transform_6(%arg0: i32) -> (i32, i32) {
    %c0_i32 = arith.constant 0 : i32
    %c0_i32_0 = arith.constant 0 : i32
    %c0_i32_1 = arith.constant 0 : i32
    return %c0_i32, %c0_i32_0 : i32, i32
  }
  func.func @transform_7(%arg0: i32) -> (i32, i32) {
    %c0_i32 = arith.constant 0 : i32
    %c0_i32_0 = arith.constant 0 : i32
    return %arg0, %c0_i32 : i32, i32
  }
}

</mosaic_0001>

<sc_bundles>
// kernel: kernel.6.cloned.1.call-start
scs
__scs_entry_jumppad:
0x0: {  	(pc) =	sbr.rel $0x88, $3  }
0x1: {  	(tag) =	ssettag $0x0;
	lr =	simm.s32 $0x1  }
0x2: {  	[smem:$0x3F97] =	sst lr;
	_ =	strace $0xD0000000  }
0x3: {  	_ = 	snop  }
0x4: {  	_ = 	snop  }
0x5: {  	_ = 	snop  }
0x6: {  	_ = 	snop  }
0x7: {  	_ = 	snop  }
__scs_overlays_trampoline_lowered:
0x8: {  	[smem:$0x3FA6] =	sst s0  }
0x9: {  	[smem:$0x3FA7] =	sst s1  }
0xa: {  	[smem:$0x3FA8] =	sst s2  }
0xb: {  	[smem:$0x3FA9] =	sst s3  }
0xc: {  	[smem:$0x3FAA] =	sst s4  }
0xd: {  	[smem:$0x3FAB] =	sst s5  }
0xe: {  	[smem:$0x3FAC] =	sst s6  }
0xf: {  	[smem:$0x3FAD] =	sst s7  }
0x10: {  	[smem:$0x3FAE] =	sst s8  }
0x11: {  	[smem:$0x3FAF] =	sst s9;
	s0 =	simm.s32 @!p0 $0x0  }
0x12: {  	s1 =	sld [smem:$0x3F95];
	s0 =	simm.s32 @p0 $0x1  }
0x13: {  	[smem:$0x3FB0] =	sst s0;
	s0 =	simm.s32 @!p1 $0x0  }
0x14: {  	s2 =	sld [smem:$0x3F94];
	s0 =	simm.s32 @p1 $0x1  }
0x15: {  	[smem:$0x3FB1] =	sst s0;
	s0 =	simm.s32 @!p2 $0x0  }
0x16: {  	s3 =	sld [smem:$0x3FDB];
	s0 =	simm.s32 @p2 $0x1  }
0x17: {  	s4 =	simm.s32 $0x1BF5;
	[smem:$0x3FB3] =	sst s0  }
0x18: {  	s0 =	sld [smem:$0x3F96];
	_ =	swait.ge [sflag:s4], $0x0  }
0x19: {  	s7 =	sld [smem:$0x3F97]  }
0x1a: {  	s8 =	sadd.s32 $0xFFFFE003, lr  }
0x1b: {  	s9 =	sadd.s32 $0xFFFFFEF7, lr;
	s5 =	simm.s32 $0xFFFFFFFF;
	p2 =	slt.u32 s8, $0xFFFFF086  }
0x1c: {  	p1 =	slt.u32 s9, $0xF7A;
	s5 =	simm.s32 @!p2 $0x0  }
0x1d: {  	s5 =	simm.s32 @p1 $0x1;
	p0 =	seq.s32 s7, s2  }
0x1e: {  	s7 =	smul.u32 @!p0 $0xF7A, s2;
	p2 =	seq.s32 @!p0 s5, $0x0  }
0x1f: {  	s9 =	smul.u32 $0xF7A, s1;
	s8 =	simm.s32 @!p0 $0x1BF5;
	p2 =	por !p2, p0  }
0x20: {  	[sflag:s8] =	ssyncset.s32 @!p0 $0xFFFFF086;
	s6 =	sadd.s32 @!p0 s3, s7;
	s7 =	simm.s32 @!p0 $0x108  }
0x21: {  	s3 =	sadd.s32 s3, s9;
	s6 =	sadd.s32 @!p0 $0x88, s6;
	s7 =	simm.s32 @p2 $0x1082  }
0x22: {  	[simem:s7], [sflag:s8] =	dma.local @!p0 [hbm:s6], $0xF7A  }
0x23: {  	s9 =	sor.u32 $0xD0000000, s2;
	s6 =	simm.s32 $0x108;
	_ =	swait.ge @!p0 [sflag:s8], $0x0  }
0x24: {  	s3 =	sadd.s32 $0x88, s3;
	s6 =	simm.s32 @!p1 $0x1082;
	[sflag:s4] =	ssyncset.s32 $0xFFFFF086  }
0x25: {  	[simem:s6], [sflag:s4] =	dma.local [hbm:s3], $0xF7A  }
0x26: {  	[smem:$0x3F97] =	sst s1;
	(tag) =	ssettag s2;
	_ =	strace s9  }
0x27: {  	s1 =	sld [smem:$0x3FA7]  }
0x28: {  	s2 =	sld [smem:$0x3FA8]  }
0x29: {  	s4 =	sld [smem:$0x3FAA]  }
0x2a: {  	p0 =	seq.s32 s5, $0x0;
	s5 =	sld [smem:$0x3FAB]  }
0x2b: {  	s6 =	sld [smem:$0x3FAC]  }
0x2c: {  	s7 =	sld [smem:$0x3FAD]  }
0x2d: {  	s3 =	simm.s32 $0x108;
	s8 =	sld [smem:$0x3FAE]  }
0x2e: {  	s3 =	simm.s32 @!p0 $0x1082;
	s9 =	sld [smem:$0x3FAF]  }
0x2f: {  	lr =	sadd.s32 s0, s3;
	s0 =	sld [smem:$0x3FA6]  }
0x30: {  	s3 =	sld [smem:$0x3FA9]  }
0x31: {  	[smem:$0x3FB2] =	sst s10  }
0x32: {  	s10 =	sld [smem:$0x3FB0];
	_ =	sdelay $0x3  }
0x33: {  	p0 =	seq.s32 s10, $0x1;
	s10 =	sld [smem:$0x3FB2];
	_ =	sdelay $0x3  }
0x34: {  	[smem:$0x3FB2] =	sst s10  }
0x35: {  	s10 =	sld [smem:$0x3FB1];
	_ =	sdelay $0x3  }
0x36: {  	p1 =	seq.s32 s10, $0x1;
	s10 =	sld [smem:$0x3FB2];
	_ =	sdelay $0x3  }
0x37: {  	[smem:$0x3FB2] =	sst s10  }
0x38: {  	s10 =	sld [smem:$0x3FB3]  }
0x39: {  	_ = 	snop;
	(pc) =	sbr.ind lr, $3  }
0x3a: {  	_ = 	snop  }
0x3b: {  	_ = 	snop  }
0x3c: {  	p2 =	seq.s32 s10, $0x1;
	s10 =	sld [smem:$0x3FB2]  }
0x3d: {  	_ =	shalt  }
0x3e: {  	_ =	shalt  }
0x3f: {  	_ =	shalt  }
0x40: {  	_ =	shalt  }
0x41: {  	_ =	shalt  }
0x42: {  	_ =	shalt  }
0x43: {  	_ =	shalt  }
0x44: {  	_ =	shalt  }
0x45: {  	_ =	shalt  }
0x46: {  	_ =	shalt  }
0x47: {  	_ =	shalt  }
0x48: {  	_ =	shalt  }
0x49: {  	_ =	shalt  }
0x4a: {  	_ =	shalt  }
0x4b: {  	_ =	shalt  }
0x4c: {  	_ =	shalt  }
0x4d: {  	_ =	shalt  }
0x4e: {  	_ =	shalt  }
0x4f: {  	_ =	shalt  }
0x50: {  	_ =	shalt  }
0x51: {  	_ =	shalt  }
0x52: {  	_ =	shalt  }
0x53: {  	_ =	shalt  }
0x54: {  	_ =	shalt  }
0x55: {  	_ =	shalt  }
0x56: {  	_ =	shalt  }
0x57: {  	_ =	shalt  }
0x58: {  	_ =	shalt  }
0x59: {  	_ =	shalt  }
0x5a: {  	_ =	shalt  }
0x5b: {  	_ =	shalt  }
0x5c: {  	_ =	shalt  }
0x5d: {  	_ =	shalt  }
0x5e: {  	_ =	shalt  }
0x5f: {  	_ =	shalt  }
0x60: {  	_ =	shalt  }
0x61: {  	_ =	shalt  }
0x62: {  	_ =	shalt  }
0x63: {  	_ =	shalt  }
0x64: {  	_ =	shalt  }
0x65: {  	_ =	shalt  }
0x66: {  	_ =	shalt  }
0x67: {  	_ =	shalt  }
0x68: {  	_ =	shalt  }
0x69: {  	_ =	shalt  }
0x6a: {  	_ =	shalt  }
0x6b: {  	_ =	shalt  }
0x6c: {  	_ =	shalt  }
0x6d: {  	_ =	shalt  }
0x6e: {  	_ =	shalt  }
0x6f: {  	_ =	shalt  }
0x70: {  	_ =	shalt  }
0x71: {  	_ =	shalt  }
0x72: {  	_ =	shalt  }
0x73: {  	_ =	shalt  }
0x74: {  	_ =	shalt  }
0x75: {  	_ =	shalt  }
0x76: {  	_ =	shalt  }
0x77: {  	_ =	shalt  }
0x78: {  	_ =	shalt  }
0x79: {  	_ =	shalt  }
0x7a: {  	_ =	shalt  }
0x7b: {  	_ =	shalt  }
0x7c: {  	_ =	shalt  }
0x7d: {  	_ =	shalt  }
0x7e: {  	_ =	shalt  }
0x7f: {  	_ =	shalt  }
0x80: {  	_ =	shalt  }
0x81: {  	_ =	shalt  }
0x82: {  	_ =	shalt  }
0x83: {  	_ =	shalt  }
0x84: {  	_ =	shalt  }
0x85: {  	_ =	shalt  }
0x86: {  	_ =	shalt  }
0x87: {  	_ =	shalt  }
.Lfunc_end0:
.L_simem_size_0:
called_computation_lowered:
.L_overlay_start_0:
0x88: {  	s2 =	sld [smem:$0x3FD9]  }
0x89: {  	s3 =	sld [smem:$0x3FFE];
	_ =	sdelay $0x1  }
0x8a: {  	s1 =	srdreg.scid  }
0x8b: {  	s0 =	sand.u32 $0x1, s1  }
0x8c: {  	s17 =	sshll.u32 s0, $0xA;
	s2 =	sadd.s32 s3, s2  }
0x8d: {  	s2 =	sadd.s32 s2, s17  }
0x8e: {  	[smem:$0x3FBE] =	sst s2  }
0x8f: {  	_ = 	snop  }
0x90: {  	s2 =	sld [smem:$0x3FC9];
	(tm) =	ssettm $0x1  }
0x91: {  	s18 =	sld [smem:$0x3FFB];
	_ =	sdelay $0x3  }
0x92: {  	_ =	strace s18  }
0x93: {  	s3 =	sld [smem:$0x3FFC];
	_ =	sdelay $0x3  }
0x94: {  	_ =	strace s3  }
0x95: {  	s3 =	sld [smem:$0x3FFD];
	_ =	sdelay $0x3  }
0x96: {  	_ =	strace s3  }
0x97: {  	_ =	strace $0x8FFFFFFF  }
0x98: {  	s19 =	sld [smem:$0x3FDB];
	_ =	sdelay $0x1  }
0x99: {  	s4 =	simm.s32 $_scs_section_size  }
0x9a: {  	s5 =	simm.s32 $_size__tile_overlayer_lowered;
	s6 =	simm.s32 $_tile_overlayer_lowered  }
0x9b: {  	s22 =	simm.s32 $0x1BFF;
	s21 =	sshll.u32 s6, $0x1;
	s3 =	sadd.s32 s4, s19  }
0x9c: {  	s7 =	simm.s32 $0x0;
	s20 =	sshll.u32 s5, $0x1;
	s5 =	sadd.s32 s21, s3  }
0x9d: {  	[timem:s7], [sflag:s22] =	dma.local [hbm:s5], s20  }
0x9e: {  	_ =	swait.ge [sflag:s22], s20  }
0x9f: {  	s4 =	ssub.s32 $0x0, s20;
	[sflag:s22] =	ssyncset.done $0x0  }
0xa0: {  	[sflag:s22] =	ssyncadd.s32 s4;
	_ =	sdelay $0x1  }
0xa1: {  	s23 =	simm.s32 $0x1B8B  }
0xa2: {  	_ =	swait.ge [sflag:s23], $0x1  }
0xa3: {  	[sflag:s23] =	ssyncset.done $0x0  }
0xa4: {  	s25 =	simm.s32 $0x1B8E;
	s24 =	sld [smem:$0x3FFE];
	[sflag:s23] =	ssyncadd.s32 $0xFFFFFFFF  }
0xa5: {  	s26 =	simm.s32 $execute0_lowered;
	[smem:$0x3FD2] =	sst s25  }
0xa6: {  	s5 =	sshll.u32 s26, $0x1;
	_ =	strace $0x80000046;
	[dreg:$0x1] =	wrdreg $0xFFFFFFFF  }
0xa7: {  	s28 =	simm.s32 $_size_execute0_lowered;
	s3 =	sadd.s32 s3, s5;
	[dreg:$0x0] =	wrdreg $0x0  }
0xa8: {  	s5 =	sshll.u32 s28, $0x1;
	[dreg:$0x2] =	wrdreg s3  }
0xa9: {  	[dreg:$0x3] =	wrdreg s5  }
0xaa: {  	[dreg:$0x4] =	wrdreg $0xC0  }
0xab: {  	_ =	task [dreg:s7], $0x5FFFF  }
0xac: {  	[dreg:$0x1] =	wrdreg $0xFFFFFFFF  }
0xad: {  	[dreg:$0x0] =	wrdreg $0x60  }
0xae: {  	[dreg:$0x2] =	wrdreg s2  }
0xaf: {  	[dreg:$0x3] =	wrdreg s24  }
0xb0: {  	[dreg:$0x4] =	wrdreg $0xB8000  }
0xb1: {  	[dreg:$0x5] =	wrdreg $0x9  }
0xb2: {  	_ =	task.clear_ibuf [dreg:s7], $0x6FFFF;
	_ =	strace $0x90000046  }
0xb3: {  	s29 =	simm.s32 $0x9;
	_ =	strace $0x80000048  }
0xb4: {  	_ =	swait.ge [sflag:s29], $0x1  }
0xb5: {  	[sflag:s29] =	ssyncadd.s32 $0xFFFFFFFF  }
0xb6: {  	_ =	strace $0x90000048  }
0xb7: {  	_ =	sfence  }
0xb8: {  	s30 =	sld [smem:$0x0];
	_ =	sdelay $0x2  }
0xb9: {  	s31 =	sshll.u32 s1, $0xD;
	s1 =	sshrl.u32 s1, $0x2  }
0xba: {  	s3 =	sand.u32 $0x4000, s31;
	s1 =	sadd.s32 s1, s30  }
0xbb: {  	s0 =	sor.u32 s3, s0;
	s1 =	sshll.u32 s1, $0x11  }
0xbc: {  	s0 =	sor.u32 s1, s0  }
0xbd: {  	s0 =	sadd.s32 $0x8F2B, s0  }
0xbe: {  	[sflag:s0] =	ssyncadd.remote.s32 $0x1  }
0xbf: {  	_ =	sfence.sel $0xFFFF  }
0xc0: {  	[dreg:$0x0] =	wrdreg $0xFFFFFFFF;
	(pc) =	sbr.abs _section_cstart, $3  }
0xc1: {  	[dreg:$0x1] =	wrdreg $0xFFFFFFFF  }
0xc2: {  	_ =	task.clear_ibuf [dreg:s7], $0x2FFFF;
	_ =	strace $0x9FFFFFFF  }
0xc3: {  	(tm) =	ssettm $0x7FFFFFFF  }
tec
execute0_lowered:
.L_overlay_start_1:
0x0: {  	(tag) =	ssettag $0x1  }
0x1: {  	s0 =	rddreg [dreg:$0x0]  }
0x2: {  	s1 =	rddreg [dreg:$0x1];
	s3 =	srdreg.scid  }
0x3: {  	s6 =	stileid.u32;
	s2 =	rddreg [dreg:$0x2];
	s16 =	simm.s32 $0x8  }
0x4: {  	s18 =	simm.s32 $0x7;
	s19 =	simm.s32 $0x50;
	s20 =	simm.s32 $0x4000  }
0x5: {  	s28 =	simm.s32 $0x5;
	s29 =	simm.s32 $0x3;
	s30 =	simm.s32 $0x6  }
0x6: {  	s31 =	simm.s32 $0x0;
	s7 =	sand.u32 $0x1, s3;
	s4 =	sshll.u32 s6, $0x1  }
0x7: {  	s3 =	simm.s32 $0x0;
	s5 =	sadd.s32 $0x2800, s1;
	s10 =	smul.u32 $0x4E000, s6  }
0x8: {  	s1 =	sadd.s32 $0x2A800, s1;
	s12 =	smul.u32 $0x13800, s6;
	s23 =	sshll.u32 s6, $0x6  }
0x9: {  	s17 =	sadd.s32 $0x138000, s2;
	s26 =	sadd.s32 $0x27000, s0;
	p0 =	sne.s32 s6, $0x0  }
0xa: {  	s4 =	sor.u32 s7, s4;
	s8 =	ssub.s32 $0x2, s7;
	s7 =	smul.u32 $0x138800, s7  }
0xb: {  	[smem:$0x7FF] =	sst s3;
	s17 =	sshrl.u32 @!p0 s17, $0x3;
	s4 =	smul.u32 $0x5000, s4  }
0xc: {  	_ =	strace $0x80000047;
	s11 =	sshrl.u32 s8, $0x1;
	s21 =	sshrl.u32 s10, $0x2  }
0xd: {  	s22 =	sshrl.u32 s12, $0x3;
	[dreg:$0x7] =	wrdreg s26;
	s26 =	simm.s32 $0x2  }
0xe: {  	s8 =	ssub.s32 s8, s11;
	s14 =	sadd.s32 s21, s2;
	s24 =	sadd.s32 s0, s22  }
0xf: {  	s25 =	sadd.s32 s12, s7;
	s7 =	sshrl.u32 s7, $0x3;
	s22 =	simm.s32 $0x6800  }
0x10: {  	s9 =	sshrl.u32 s4, $0x3;
	[dreg:$0x6] =	wrdreg s24;
	s11 =	sshrl.u32 s25, $0x3  }
.Ltmp0:
0x11: {  	s7 =	sadd.s32 s1, s7;
	s13 =	smax.u32 s8, $0x1;
	(pc) =	sbr.rel .LBB2_1-.Ltmp0, $4  }
0x12: {  	s15 =	sshrl.u32 s14, $0x3;
	s24 =	simm.s32 $0x1;
	s9 =	sadd.s32 s5, s9  }
0x13: {  	s25 =	simm.s32 $0x4;
	s1 =	sadd.s32 s1, s11;
	[dreg:$0x4] =	wrdreg s9  }
0x14: {  	s12 =	sadd.s32 $0x27000, s7;
	s9 =	sadd.s32 $0x14000, s9;
	[dreg:$0x8] =	wrdreg s1  }
0x15: {  	[dreg:$0x5] =	wrdreg s9;
	s9 =	sor.u32 $0x1C08, s23;
	s23 =	simm.s32 $0x9000  }
.LBB2_6:
0x16: {  	[bflag:$0x0] =	sbarrier.arrive $0xFFFF  }
0x17: {  	s1 =	rddreg [dreg:$0x8]  }
0x18: {  	[hbm:s1], [sflag:s9] =	dma.local [spmem:s15], $0x2700  }
0x19: {  	s31 =	sadd.s32 $0x1, s31;
	_ =	swait.ge [sflag:s16], $0x2700  }
0x1a: {  	p1 =	sne.s32 s31, s13;
	[sflag:s16] =	ssyncset.done $0x0  }
.Ltmp1:
0x1b: {  	s1 =	simm.s32 @!p0 $0x8;
	[sflag:s16] =	ssyncadd.s32 $0xFFFFD900;
	(pc) =	sbr.rel @!p1 .LBB2_7-.Ltmp1, $4  }
0x1c: {  	[hbm:s12], [sflag:s9] =	dma.local @!p0 [spmem:s17], $0x100  }
0x1d: {  	_ =	swait.ge @!p0 [sflag:s1], $0x100  }
0x1e: {  	[sflag:s1] =	ssyncset.done @!p0 $0x0  }
0x1f: {  	[sflag:s1] =	ssyncadd.s32 @!p0 $0xFFFFFF00  }
.LBB2_1:
0x20: {  	s1 =	rddreg [dreg:$0x4]  }
0x21: {  	s11 =	rddreg [dreg:$0x5]  }
0x22: {  	[tilespmem:s3], [sflag:$0x7] =	stream.linear.gather [hbm4b:s1+s3], $0xC80, $0x38;
	[tilespmem:$0x1F080] =	vst v63  }
0x23: {  	s6 =	simm.s32 $0x2000;
	s14 =	rddreg [dreg:$0x6]  }
0x24: {  	[tilespmem:s6], [sflag:$0x7] =	stream.linear.gather [hbm4b:s11+s3], $0xC80, $0x38;
	[tilespmem:$0x1F080] =	vst v63  }
0x25: {  	[spmem:s15], [sflag:s9] =	dma.local [hbm:s14], $0x2700  }
0x26: {  	_ =	swait.ge [sflag:s16], $0x2700  }
0x27: {  	[sflag:s16] =	ssyncset.done $0x0  }
0x28: {  	s1 =	rddreg [dreg:$0x7];
	[sflag:s16] =	ssyncadd.s32 $0xFFFFD900  }
0x29: {  	[spmem:s17], [sflag:s9] =	dma.local @!p0 [hbm:s1], $0x100  }
0x2a: {  	s1 =	simm.s32 @!p0 $0x8  }
0x2b: {  	_ =	swait.ge @!p0 [sflag:s1], $0x100  }
0x2c: {  	[sflag:s1] =	ssyncset.done @!p0 $0x0  }
0x2d: {  	[sflag:s1] =	ssyncadd.s32 @!p0 $0xFFFFFF00  }
0x2e: {  	_ =	swait.ge [sflag:s18], $0xC80  }
0x2f: {  	[sflag:s18] =	ssyncset.done $0x0  }
0x30: {  	[sflag:s18] =	ssyncadd.s32 $0xFFFFF380  }
0x31: {  	_ =	swait.ge [sflag:s18], $0xC80  }
0x32: {  	[sflag:s18] =	ssyncset.done $0x0  }
0x33: {  	[sflag:s18] =	ssyncadd.s32 $0xFFFFF380  }
0x34: {  	[tilespmem:s20], [sflag:$0x1] =	stream.indirect.gather [hbm4b:s0+s19], $0x80, s3, s19, $0xb8;
	[tilespmem:$0x1F080] =	vst v63  }
0x35: {  	s21 =	simm.s32 $0x80  }
0x36: {  	[tilespmem:s22], [sflag:$0x2] =	stream.indirect.gather [hbm4b:s0+s19], $0x80, s21, s19, $0xb8;
	[tilespmem:$0x1F080] =	vst v63  }
0x37: {  	s1 =	simm.s32 $0x0;
	[bflag:$0x0] =	sbarrier.arrive $0xFFFF  }
.LBB2_2:
0x38: {  	s6 =	smov.u32 s1  }
0x39: {  	s1 =	sadd.s32 $0x1, s1;
	p1 =	seq.s32 s6, $0x4  }
0x3a: {  	s7 =	sshll.u32 @!p1 s1, $0xC  }
0x3b: {  	s21 =	sand.u32 $0x1, s6;
	s6 =	sadd.s32 @!p1 s4, s7  }
0x3c: {  	s14 =	sshll.u32 @!p1 s21, $0xC;
	s6 =	sshrl.u32 @!p1 s6, $0x3  }
0x3d: {  	s8 =	simm.s32 @!p1 $0x0;
	s7 =	sxor.u32 @!p1 $0x1000, s14;
	s6 =	sadd.s32 @!p1 s5, s6  }
0x3e: {  	[tilespmem:s7], [sflag:$0x7] =	stream.linear.gather @!p1 [hbm4b:s6+s8], $0xC80, $0x38;
	[tilespmem:$0x1F080] =	vst v63  }
0x3f: {  	s7 =	sxor.u32 @!p1 $0x3000, s14;
	s6 =	sadd.s32 @!p1 $0x14000, s6;
	s14 =	simm.s32 @p1 $0x0  }
0x40: {  	[tilespmem:s7], [sflag:$0x7] =	stream.linear.gather @!p1 [hbm4b:s6+s8], $0xC80, $0x38;
	[tilespmem:$0x1F080] =	vst v63  }
0x41: {  	s7 =	sor.u32 $0x100, s14  }
0x42: {  	[tilespmem:s23], [sflag:$0x3] =	stream.indirect.gather [hbm4b:s0+s19], $0x80, s7, s19, $0xb8;
	[tilespmem:$0x1F080] =	vst v63  }
0x43: {  	_ =	swait.ge [sflag:s24], $0x2800  }
0x44: {  	[sflag:s24] =	ssyncset.done $0x0  }
0x45: {  	s7 =	sor.u32 $0x2000, s14;
	[sflag:s24] =	ssyncadd.s32 $0xFFFFD800  }
0x46: {  	[spmem:s2] =	stream.indirect.scatter.add.f32 [tilespmem:s20], [sflag:$0x4], $0x80, s7, s19, $0xb8;
	[tilespmem:$0x1F080] =	vst v63  }
0x47: {  	_ =	swait.ge [sflag:s25], $0x2800  }
0x48: {  	[sflag:s25] =	ssyncset.done $0x0  }
0x49: {  	s8 =	sadd.s32 $0x180, s14;
	[sflag:s25] =	ssyncadd.s32 $0xFFFFD800  }
0x4a: {  	[tilespmem:s20], [sflag:$0x1] =	stream.indirect.gather [hbm4b:s0+s19], $0x80, s8, s19, $0xb8;
	[tilespmem:$0x1F080] =	vst v63  }
0x4b: {  	_ =	swait.ge [sflag:s26], $0x2800  }
0x4c: {  	[sflag:s26] =	ssyncset.done $0x0  }
0x4d: {  	s10 =	sadd.s32 $0x2080, s14;
	[sflag:s26] =	ssyncadd.s32 $0xFFFFD800  }
0x4e: {  	[spmem:s2] =	stream.indirect.scatter.add.f32 [tilespmem:s22], [sflag:$0x5], $0x80, s10, s19, $0xb8;
	[tilespmem:$0x1F080] =	vst v63  }
0x4f: {  	_ =	swait.ge [sflag:s28], $0x2800  }
0x50: {  	[sflag:s28] =	ssyncset.done $0x0  }
0x51: {  	s11 =	sadd.s32 $0x200, s14;
	[sflag:s28] =	ssyncadd.s32 $0xFFFFD800  }
0x52: {  	[tilespmem:s22], [sflag:$0x2] =	stream.indirect.gather [hbm4b:s0+s19], $0x80, s11, s19, $0xb8;
	[tilespmem:$0x1F080] =	vst v63  }
0x53: {  	_ =	swait.ge [sflag:s29], $0x2800  }
0x54: {  	[sflag:s29] =	ssyncset.done $0x0  }
0x55: {  	s8 =	sor.u32 $0x2100, s14;
	[sflag:s29] =	ssyncadd.s32 $0xFFFFD800  }
0x56: {  	[spmem:s2] =	stream.indirect.scatter.add.f32 [tilespmem:s23], [sflag:$0x6], $0x80, s8, s19, $0xb8;
	[tilespmem:$0x1F080] =	vst v63  }
0x57: {  	_ =	swait.ge [sflag:s30], $0x2800  }
0x58: {  	s6 =	sadd.s32 $0x0, s14;
	[sflag:s30] =	ssyncset.done $0x0  }
0x59: {  	s10 =	sadd.s32 $0x280, s6;
	[sflag:s30] =	ssyncadd.s32 $0xFFFFD800  }
0x5a: {  	[tilespmem:s23], [sflag:$0x3] =	stream.indirect.gather [hbm4b:s0+s19], $0x80, s10, s19, $0xb8;
	[tilespmem:$0x1F080] =	vst v63  }
0x5b: {  	_ =	swait.ge [sflag:s24], $0x2800  }
0x5c: {  	s8 =	sadd.s32 $0x0, s7;
	[sflag:s24] =	ssyncset.done $0x0  }
0x5d: {  	s10 =	sadd.s32 $0x180, s8;
	[sflag:s24] =	ssyncadd.s32 $0xFFFFD800  }
0x5e: {  	[spmem:s2] =	stream.indirect.scatter.add.f32 [tilespmem:s20], [sflag:$0x4], $0x80, s10, s19, $0xb8;
	[tilespmem:$0x1F080] =	vst v63  }
0x5f: {  	_ =	swait.ge [sflag:s25], $0x2800  }
0x60: {  	[sflag:s25] =	ssyncset.done $0x0  }
0x61: {  	s11 =	sadd.s32 $0x300, s6;
	[sflag:s25] =	ssyncadd.s32 $0xFFFFD800  }
0x62: {  	[tilespmem:s20], [sflag:$0x1] =	stream.indirect.gather [hbm4b:s0+s19], $0x80, s11, s19, $0xb8;
	[tilespmem:$0x1F080] =	vst v63  }
0x63: {  	_ =	swait.ge [sflag:s26], $0x2800  }
0x64: {  	[sflag:s26] =	ssyncset.done $0x0  }
0x65: {  	s11 =	sadd.s32 $0x200, s8;
	[sflag:s26] =	ssyncadd.s32 $0xFFFFD800  }
0x66: {  	[spmem:s2] =	stream.indirect.scatter.add.f32 [tilespmem:s22], [sflag:$0x5], $0x80, s11, s19, $0xb8;
	[tilespmem:$0x1F080] =	vst v63  }
0x67: {  	_ =	swait.ge [sflag:s28], $0x2800  }
0x68: {  	[sflag:s28] =	ssyncset.done $0x0  }
0x69: {  	s6 =	sadd.s32 $0x380, s6;
	[sflag:s28] =	ssyncadd.s32 $0xFFFFD800  }
0x6a: {  	[tilespmem:s22], [sflag:$0x2] =	stream.indirect.gather [hbm4b:s0+s19], $0x80, s6, s19, $0xb8;
	[tilespmem:$0x1F080] =	vst v63  }
0x6b: {  	_ =	swait.ge [sflag:s29], $0x2800  }
0x6c: {  	[sflag:s29] =	ssyncset.done $0x0  }
0x6d: {  	s8 =	sadd.s32 $0x280, s8;
	s6 =	simm.s32 $0x600;
	[sflag:s29] =	ssyncadd.s32 $0xFFFFD800  }
.LBB2_3:
0x6e: {  	[spmem:s2] =	stream.indirect.scatter.add.f32 [tilespmem:s23], [sflag:$0x6], $0x80, s8, s19, $0xb8;
	[tilespmem:$0x1F080] =	vst v63  }
0x6f: {  	s8 =	sshra.s32 s6, $0x2;
	s6 =	sadd.s32 $0x600, s6;
	_ =	swait.ge [sflag:s30], $0x2800  }
0x70: {  	s10 =	sadd.s32 s8, s14;
	s8 =	sadd.s32 s8, s7;
	[sflag:s30] =	ssyncset.done $0x0  }
0x71: {  	p2 =	sne.s32 s6, $0x2400;
	s11 =	sadd.s32 $0x280, s10;
	[sflag:s30] =	ssyncadd.s32 $0xFFFFD800  }
0x72: {  	[tilespmem:s23], [sflag:$0x3] =	stream.indirect.gather [hbm4b:s0+s19], $0x80, s11, s19, $0xb8;
	[tilespmem:$0x1F080] =	vst v63  }
0x73: {  	_ =	swait.ge [sflag:s24], $0x2800  }
0x74: {  	[sflag:s24] =	ssyncset.done $0x0  }
0x75: {  	s11 =	sadd.s32 $0x180, s8;
	[sflag:s24] =	ssyncadd.s32 $0xFFFFD800  }
0x76: {  	[spmem:s2] =	stream.indirect.scatter.add.f32 [tilespmem:s20], [sflag:$0x4], $0x80, s11, s19, $0xb8;
	[tilespmem:$0x1F080] =	vst v63  }
0x77: {  	_ =	swait.ge [sflag:s25], $0x2800  }
0x78: {  	[sflag:s25] =	ssyncset.done $0x0  }
0x79: {  	s11 =	sadd.s32 $0x300, s10;
	[sflag:s25] =	ssyncadd.s32 $0xFFFFD800  }
0x7a: {  	[tilespmem:s20], [sflag:$0x1] =	stream.indirect.gather [hbm4b:s0+s19], $0x80, s11, s19, $0xb8;
	[tilespmem:$0x1F080] =	vst v63  }
0x7b: {  	_ =	swait.ge [sflag:s26], $0x2800  }
0x7c: {  	[sflag:s26] =	ssyncset.done $0x0  }
0x7d: {  	s11 =	sadd.s32 $0x200, s8;
	[sflag:s26] =	ssyncadd.s32 $0xFFFFD800  }
0x7e: {  	[spmem:s2] =	stream.indirect.scatter.add.f32 [tilespmem:s22], [sflag:$0x5], $0x80, s11, s19, $0xb8;
	[tilespmem:$0x1F080] =	vst v63  }
0x7f: {  	_ =	swait.ge [sflag:s28], $0x2800  }
0x80: {  	[sflag:s28] =	ssyncset.done $0x0  }
.Ltmp2:
0x81: {  	s10 =	sadd.s32 $0x380, s10;
	[sflag:s28] =	ssyncadd.s32 $0xFFFFD800;
	(pc) =	sbr.rel @p2 .LBB2_3-.Ltmp2, $4  }
0x82: {  	[tilespmem:s22], [sflag:$0x2] =	stream.indirect.gather [hbm4b:s0+s19], $0x80, s10, s19, $0xb8;
	[tilespmem:$0x1F080] =	vst v63  }
0x83: {  	_ =	swait.ge [sflag:s29], $0x2800  }
0x84: {  	[sflag:s29] =	ssyncset.done $0x0  }
0x85: {  	s8 =	sadd.s32 $0x280, s8;
	[sflag:s29] =	ssyncadd.s32 $0xFFFFD800  }
0x86: {  	[spmem:s2] =	stream.indirect.scatter.add.f32 [tilespmem:s23], [sflag:$0x6], $0x80, s8, s19, $0xb8;
	[tilespmem:$0x1F080] =	vst v63  }
0x87: {  	_ =	swait.ge [sflag:s30], $0x2800  }
0x88: {  	[sflag:s30] =	ssyncset.done $0x0  }
0x89: {  	s10 =	sor.u32 $0xB80, s14;
	[sflag:s30] =	ssyncadd.s32 $0xFFFFD800  }
0x8a: {  	[tilespmem:s23], [sflag:$0x3] =	stream.indirect.gather [hbm4b:s0+s19], $0x80, s10, s19, $0xb8;
	[tilespmem:$0x1F080] =	vst v63  }
0x8b: {  	s6 =	sshra.s32 s6, $0x2;
	_ =	swait.ge [sflag:s24], $0x2800  }
0x8c: {  	s7 =	sadd.s32 s6, s7;
	[sflag:s24] =	ssyncset.done $0x0  }
0x8d: {  	s11 =	sadd.s32 $0x180, s7;
	[sflag:s24] =	ssyncadd.s32 $0xFFFFD800  }
0x8e: {  	[spmem:s2] =	stream.indirect.scatter.add.f32 [tilespmem:s20], [sflag:$0x4], $0x80, s11, s19, $0xb8;
	[tilespmem:$0x1F080] =	vst v63  }
0x8f: {  	_ =	swait.ge [sflag:s25], $0x2800  }
0x90: {  	s6 =	sadd.s32 s6, s14;
	[sflag:s25] =	ssyncset.done $0x0  }
0x91: {  	s6 =	sadd.s32 $0x300, s6;
	[sflag:s25] =	ssyncadd.s32 $0xFFFFD800  }
0x92: {  	[tilespmem:s20], [sflag:$0x1] =	stream.indirect.gather [hbm4b:s0+s19], $0x80, s6, s19, $0xb8;
	[tilespmem:$0x1F080] =	vst v63  }
0x93: {  	_ =	swait.ge [sflag:s26], $0x2800  }
0x94: {  	[sflag:s26] =	ssyncset.done $0x0  }
0x95: {  	s10 =	sadd.s32 $0x200, s7;
	[sflag:s26] =	ssyncadd.s32 $0xFFFFD800  }
0x96: {  	[spmem:s2] =	stream.indirect.scatter.add.f32 [tilespmem:s22], [sflag:$0x5], $0x80, s10, s19, $0xb8;
	[tilespmem:$0x1F080] =	vst v63  }
0x97: {  	_ =	swait.ge [sflag:s28], $0x2800  }
0x98: {  	[sflag:s28] =	ssyncset.done $0x0  }
0x99: {  	[sflag:s28] =	ssyncadd.s32 $0xFFFFD800  }
0x9a: {  	_ =	swait.ge [sflag:s29], $0x2800  }
0x9b: {  	[sflag:s29] =	ssyncset.done $0x0  }
0x9c: {  	s11 =	sor.u32 $0x2B80, s14;
	[sflag:s29] =	ssyncadd.s32 $0xFFFFD800  }
0x9d: {  	[spmem:s2] =	stream.indirect.scatter.add.f32 [tilespmem:s23], [sflag:$0x6], $0x80, s11, s19, $0xb8;
	[tilespmem:$0x1F080] =	vst v63  }
0x9e: {  	_ =	swait.ge [sflag:s30], $0x2800  }
0x9f: {  	[sflag:s30] =	ssyncset.done $0x0  }
0xa0: {  	[sflag:s30] =	ssyncadd.s32 $0xFFFFD800  }
0xa1: {  	_ =	swait.ge [sflag:s24], $0x2800  }
0xa2: {  	s21 =	sshll.u32 s21, $0xC;
	[sflag:s24] =	ssyncset.done $0x0  }
.Ltmp3:
0xa3: {  	s6 =	sor.u32 $0x2C00, s21;
	[sflag:s24] =	ssyncadd.s32 $0xFFFFD800;
	(pc) =	sbr.rel @p1 .LBB2_6-.Ltmp3, $4  }
0xa4: {  	[spmem:s2] =	stream.indirect.scatter.add.f32 [tilespmem:s20], [sflag:$0x4], $0x80, s6, s19, $0xb8;
	[tilespmem:$0x1F080] =	vst v63  }
0xa5: {  	_ =	swait.ge [sflag:s25], $0x2800  }
0xa6: {  	[sflag:s25] =	ssyncset.done $0x0  }
0xa7: {  	[sflag:s25] =	ssyncadd.s32 $0xFFFFD800  }
0xa8: {  	_ =	swait.ge [sflag:s18], $0xC80  }
0xa9: {  	[sflag:s18] =	ssyncset.done $0x0  }
0xaa: {  	[sflag:s18] =	ssyncadd.s32 $0xFFFFF380  }
0xab: {  	_ =	swait.ge [sflag:s18], $0xC80  }
.Ltmp4:
0xac: {  	[sflag:s18] =	ssyncset.done $0x0;
	(pc) =	sbr.rel .LBB2_2-.Ltmp4, $4  }
0xad: {  	s6 =	ssub.s32 $0x1000, s14;
	[sflag:s18] =	ssyncadd.s32 $0xFFFFF380  }
0xae: {  	[tilespmem:s20], [sflag:$0x1] =	stream.indirect.gather [hbm4b:s0+s19], $0x80, s6, s19, $0xb8;
	[tilespmem:$0x1F080] =	vst v63  }
0xaf: {  	s21 =	ssub.s32 $0x1080, s14  }
0xb0: {  	[tilespmem:s22], [sflag:$0x2] =	stream.indirect.gather [hbm4b:s0+s19], $0x80, s21, s19, $0xb8;
	[tilespmem:$0x1F080] =	vst v63  }
.LBB2_7:
0xb1: {  	_ =	sfence.sel $0x180000  }
0xb2: {  	[bflag:$0x0] =	sbarrier.arrive $0xFFFF  }
0xb3: {  	_ =	strace $0x90000047  }
0xb4: {  	[bflag:$0x2] =	sbarrier.arrive $0xFFFF  }
0xb5: {  	s0 =	rddreg [dreg:$0x3]  }
0xb6: {  	s0 =	sadd.s32 @!p0 $0x100000, s0  }
0xb7: {  	[sflag:s0] =	ssyncadd.tile.s32 @!p0 $0x1;
	_ =	shalt  }
.Lfunc_end2:
_tile_overlayer_lowered:
.L_overlay_start_2:
0xb8: {  	(tag) =	ssettag $0x2  }
0xb9: {  	s0 =	rddreg [dreg:$0x0];
	s2 =	stileid.u32  }
0xba: {  	s1 =	rddreg [dreg:$0x1];
	p0 =	sne.s32 s2, $0x0  }
0xbb: {  	s3 =	rddreg [dreg:$0x2];
	[bflag:$0x3] =	sbarrier.arrive $0xFFFF;
	s2 =	simm.s32 @!p0 $0x1C08  }
0xbc: {  	[timem:s3], [sflag:s2] =	dma.local @!p0 [hbm:s0], s1  }
0xbd: {  	s0 =	simm.s32 @!p0 $0x8  }
0xbe: {  	_ =	swait.ge @!p0 [sflag:s0], s1  }
0xbf: {  	s1 =	ssub.s32 @!p0 $0x0, s1;
	[sflag:s0] =	ssyncset.done @!p0 $0x0  }
0xc0: {  	[sflag:s0] =	ssyncadd.s32 @!p0 s1  }
0xc1: {  	[bflag:$0x3] =	sbarrier.arrive $0xFFFF  }
0xc2: {  	_ =	shalt  }

// kernel: kernel.9.cloned.1.call-start
scs
__scs_entry_jumppad:
0x0: {  	(pc) =	sbr.rel $0x88, $3  }
0x1: {  	(tag) =	ssettag $0x0;
	lr =	simm.s32 $0x1  }
0x2: {  	[smem:$0x3F97] =	sst lr;
	_ =	strace $0xD0000000  }
0x3: {  	_ = 	snop  }
0x4: {  	_ = 	snop  }
0x5: {  	_ = 	snop  }
0x6: {  	_ = 	snop  }
0x7: {  	_ = 	snop  }
__scs_overlays_trampoline_lowered:
0x8: {  	[smem:$0x3FA6] =	sst s0  }
0x9: {  	[smem:$0x3FA7] =	sst s1  }
0xa: {  	[smem:$0x3FA8] =	sst s2  }
0xb: {  	[smem:$0x3FA9] =	sst s3  }
0xc: {  	[smem:$0x3FAA] =	sst s4  }
0xd: {  	[smem:$0x3FAB] =	sst s5  }
0xe: {  	[smem:$0x3FAC] =	sst s6  }
0xf: {  	[smem:$0x3FAD] =	sst s7  }
0x10: {  	[smem:$0x3FAE] =	sst s8  }
0x11: {  	[smem:$0x3FAF] =	sst s9;
	s0 =	simm.s32 @!p0 $0x0  }
0x12: {  	s1 =	sld [smem:$0x3F95];
	s0 =	simm.s32 @p0 $0x1  }
0x13: {  	[smem:$0x3FB0] =	sst s0;
	s0 =	simm.s32 @!p1 $0x0  }
0x14: {  	s2 =	sld [smem:$0x3F94];
	s0 =	simm.s32 @p1 $0x1  }
0x15: {  	[smem:$0x3FB1] =	sst s0;
	s0 =	simm.s32 @!p2 $0x0  }
0x16: {  	s3 =	sld [smem:$0x3FDB];
	s0 =	simm.s32 @p2 $0x1  }
0x17: {  	s4 =	simm.s32 $0x1BF5;
	[smem:$0x3FB3] =	sst s0  }
0x18: {  	s0 =	sld [smem:$0x3F96];
	_ =	swait.ge [sflag:s4], $0x0  }
0x19: {  	s7 =	sld [smem:$0x3F97]  }
0x1a: {  	s8 =	sadd.s32 $0xFFFFE003, lr  }
0x1b: {  	s9 =	sadd.s32 $0xFFFFFEF7, lr;
	s5 =	simm.s32 $0xFFFFFFFF;
	p2 =	slt.u32 s8, $0xFFFFF086  }
0x1c: {  	p1 =	slt.u32 s9, $0xF7A;
	s5 =	simm.s32 @!p2 $0x0  }
0x1d: {  	s5 =	simm.s32 @p1 $0x1;
	p0 =	seq.s32 s7, s2  }
0x1e: {  	s7 =	smul.u32 @!p0 $0xF7A, s2;
	p2 =	seq.s32 @!p0 s5, $0x0  }
0x1f: {  	s9 =	smul.u32 $0xF7A, s1;
	s8 =	simm.s32 @!p0 $0x1BF5;
	p2 =	por !p2, p0  }
0x20: {  	[sflag:s8] =	ssyncset.s32 @!p0 $0xFFFFF086;
	s6 =	sadd.s32 @!p0 s3, s7;
	s7 =	simm.s32 @!p0 $0x108  }
0x21: {  	s3 =	sadd.s32 s3, s9;
	s6 =	sadd.s32 @!p0 $0x88, s6;
	s7 =	simm.s32 @p2 $0x1082  }
0x22: {  	[simem:s7], [sflag:s8] =	dma.local @!p0 [hbm:s6], $0xF7A  }
0x23: {  	s9 =	sor.u32 $0xD0000000, s2;
	s6 =	simm.s32 $0x108;
	_ =	swait.ge @!p0 [sflag:s8], $0x0  }
0x24: {  	s3 =	sadd.s32 $0x88, s3;
	s6 =	simm.s32 @!p1 $0x1082;
	[sflag:s4] =	ssyncset.s32 $0xFFFFF086  }
0x25: {  	[simem:s6], [sflag:s4] =	dma.local [hbm:s3], $0xF7A  }
0x26: {  	[smem:$0x3F97] =	sst s1;
	(tag) =	ssettag s2;
	_ =	strace s9  }
0x27: {  	s1 =	sld [smem:$0x3FA7]  }
0x28: {  	s2 =	sld [smem:$0x3FA8]  }
0x29: {  	s4 =	sld [smem:$0x3FAA]  }
0x2a: {  	p0 =	seq.s32 s5, $0x0;
	s5 =	sld [smem:$0x3FAB]  }
0x2b: {  	s6 =	sld [smem:$0x3FAC]  }
0x2c: {  	s7 =	sld [smem:$0x3FAD]  }
0x2d: {  	s3 =	simm.s32 $0x108;
	s8 =	sld [smem:$0x3FAE]  }
0x2e: {  	s3 =	simm.s32 @!p0 $0x1082;
	s9 =	sld [smem:$0x3FAF]  }
0x2f: {  	lr =	sadd.s32 s0, s3;
	s0 =	sld [smem:$0x3FA6]  }
0x30: {  	s3 =	sld [smem:$0x3FA9]  }
0x31: {  	[smem:$0x3FB2] =	sst s10  }
0x32: {  	s10 =	sld [smem:$0x3FB0];
	_ =	sdelay $0x3  }
0x33: {  	p0 =	seq.s32 s10, $0x1;
	s10 =	sld [smem:$0x3FB2];
	_ =	sdelay $0x3  }
0x34: {  	[smem:$0x3FB2] =	sst s10  }
0x35: {  	s10 =	sld [smem:$0x3FB1];
	_ =	sdelay $0x3  }
0x36: {  	p1 =	seq.s32 s10, $0x1;
	s10 =	sld [smem:$0x3FB2];
	_ =	sdelay $0x3  }
0x37: {  	[smem:$0x3FB2] =	sst s10  }
0x38: {  	s10 =	sld [smem:$0x3FB3]  }
0x39: {  	_ = 	snop;
	(pc) =	sbr.ind lr, $3  }
0x3a: {  	_ = 	snop  }
0x3b: {  	_ = 	snop  }
0x3c: {  	p2 =	seq.s32 s10, $0x1;
	s10 =	sld [smem:$0x3FB2]  }
0x3d: {  	_ =	shalt  }
0x3e: {  	_ =	shalt  }
0x3f: {  	_ =	shalt  }
0x40: {  	_ =	shalt  }
0x41: {  	_ =	shalt  }
0x42: {  	_ =	shalt  }
0x43: {  	_ =	shalt  }
0x44: {  	_ =	shalt  }
0x45: {  	_ =	shalt  }
0x46: {  	_ =	shalt  }
0x47: {  	_ =	shalt  }
0x48: {  	_ =	shalt  }
0x49: {  	_ =	shalt  }
0x4a: {  	_ =	shalt  }
0x4b: {  	_ =	shalt  }
0x4c: {  	_ =	shalt  }
0x4d: {  	_ =	shalt  }
0x4e: {  	_ =	shalt  }
0x4f: {  	_ =	shalt  }
0x50: {  	_ =	shalt  }
0x51: {  	_ =	shalt  }
0x52: {  	_ =	shalt  }
0x53: {  	_ =	shalt  }
0x54: {  	_ =	shalt  }
0x55: {  	_ =	shalt  }
0x56: {  	_ =	shalt  }
0x57: {  	_ =	shalt  }
0x58: {  	_ =	shalt  }
0x59: {  	_ =	shalt  }
0x5a: {  	_ =	shalt  }
0x5b: {  	_ =	shalt  }
0x5c: {  	_ =	shalt  }
0x5d: {  	_ =	shalt  }
0x5e: {  	_ =	shalt  }
0x5f: {  	_ =	shalt  }
0x60: {  	_ =	shalt  }
0x61: {  	_ =	shalt  }
0x62: {  	_ =	shalt  }
0x63: {  	_ =	shalt  }
0x64: {  	_ =	shalt  }
0x65: {  	_ =	shalt  }
0x66: {  	_ =	shalt  }
0x67: {  	_ =	shalt  }
0x68: {  	_ =	shalt  }
0x69: {  	_ =	shalt  }
0x6a: {  	_ =	shalt  }
0x6b: {  	_ =	shalt  }
0x6c: {  	_ =	shalt  }
0x6d: {  	_ =	shalt  }
0x6e: {  	_ =	shalt  }
0x6f: {  	_ =	shalt  }
0x70: {  	_ =	shalt  }
0x71: {  	_ =	shalt  }
0x72: {  	_ =	shalt  }
0x73: {  	_ =	shalt  }
0x74: {  	_ =	shalt  }
0x75: {  	_ =	shalt  }
0x76: {  	_ =	shalt  }
0x77: {  	_ =	shalt  }
0x78: {  	_ =	shalt  }
0x79: {  	_ =	shalt  }
0x7a: {  	_ =	shalt  }
0x7b: {  	_ =	shalt  }
0x7c: {  	_ =	shalt  }
0x7d: {  	_ =	shalt  }
0x7e: {  	_ =	shalt  }
0x7f: {  	_ =	shalt  }
0x80: {  	_ =	shalt  }
0x81: {  	_ =	shalt  }
0x82: {  	_ =	shalt  }
0x83: {  	_ =	shalt  }
0x84: {  	_ =	shalt  }
0x85: {  	_ =	shalt  }
0x86: {  	_ =	shalt  }
0x87: {  	_ =	shalt  }
.Lfunc_end0:
.L_simem_size_0:
called_computation.1_lowered:
.L_overlay_start_0:
0x88: {  	s2 =	sld [smem:$0x3FD9]  }
0x89: {  	s3 =	sld [smem:$0x3FFE];
	_ =	sdelay $0x1  }
0x8a: {  	s1 =	srdreg.scid  }
0x8b: {  	s0 =	sand.u32 $0x1, s1  }
0x8c: {  	s17 =	sshll.u32 s0, $0xA;
	s2 =	sadd.s32 s3, s2  }
0x8d: {  	s2 =	sadd.s32 s2, s17  }
0x8e: {  	[smem:$0x3FBE] =	sst s2  }
0x8f: {  	_ = 	snop  }
0x90: {  	s2 =	sld [smem:$0x3FD0];
	(tm) =	ssettm $0x1  }
0x91: {  	s18 =	sld [smem:$0x3FFB];
	_ =	sdelay $0x3  }
0x92: {  	_ =	strace s18  }
0x93: {  	s3 =	sld [smem:$0x3FFC];
	_ =	sdelay $0x3  }
0x94: {  	_ =	strace s3  }
0x95: {  	s3 =	sld [smem:$0x3FFD];
	_ =	sdelay $0x3  }
0x96: {  	_ =	strace s3  }
0x97: {  	_ =	strace $0x8FFFFFFF  }
0x98: {  	s19 =	sld [smem:$0x3FDB];
	_ =	sdelay $0x1  }
0x99: {  	s4 =	simm.s32 $_scs_section_size  }
0x9a: {  	s5 =	simm.s32 $_size__tile_overlayer_lowered;
	s6 =	simm.s32 $_tile_overlayer_lowered  }
0x9b: {  	s22 =	simm.s32 $0x1BFF;
	s21 =	sshll.u32 s6, $0x1;
	s3 =	sadd.s32 s4, s19  }
0x9c: {  	s7 =	simm.s32 $0x0;
	s20 =	sshll.u32 s5, $0x1;
	s5 =	sadd.s32 s21, s3  }
0x9d: {  	[timem:s7], [sflag:s22] =	dma.local [hbm:s5], s20  }
0x9e: {  	_ =	swait.ge [sflag:s22], s20  }
0x9f: {  	s4 =	ssub.s32 $0x0, s20;
	[sflag:s22] =	ssyncset.done $0x0  }
0xa0: {  	[sflag:s22] =	ssyncadd.s32 s4;
	_ =	sdelay $0x1  }
0xa1: {  	s23 =	simm.s32 $0x1B8B  }
0xa2: {  	_ =	swait.ge [sflag:s23], $0x1  }
0xa3: {  	[sflag:s23] =	ssyncset.done $0x0  }
0xa4: {  	s25 =	simm.s32 $0x1B8E;
	s24 =	sld [smem:$0x3FFE];
	[sflag:s23] =	ssyncadd.s32 $0xFFFFFFFF  }
0xa5: {  	s26 =	simm.s32 $execute0_lowered;
	[smem:$0x3FD2] =	sst s25  }
0xa6: {  	s5 =	sshll.u32 s26, $0x1;
	_ =	strace $0x80000049;
	[dreg:$0x1] =	wrdreg $0xFFFFFFFF  }
0xa7: {  	s28 =	simm.s32 $_size_execute0_lowered;
	s3 =	sadd.s32 s3, s5;
	[dreg:$0x0] =	wrdreg $0x0  }
0xa8: {  	s5 =	sshll.u32 s28, $0x1;
	[dreg:$0x2] =	wrdreg s3  }
0xa9: {  	[dreg:$0x3] =	wrdreg s5  }
0xaa: {  	[dreg:$0x4] =	wrdreg $0xC0  }
0xab: {  	_ =	task [dreg:s7], $0x5FFFF  }
0xac: {  	[dreg:$0x1] =	wrdreg $0xFFFFFFFF  }
0xad: {  	[dreg:$0x0] =	wrdreg $0x60  }
0xae: {  	[dreg:$0x2] =	wrdreg s2  }
0xaf: {  	[dreg:$0x3] =	wrdreg s24  }
0xb0: {  	[dreg:$0x4] =	wrdreg $0xB8000  }
0xb1: {  	[dreg:$0x5] =	wrdreg $0x9  }
0xb2: {  	_ =	task.clear_ibuf [dreg:s7], $0x6FFFF;
	_ =	strace $0x90000049  }
0xb3: {  	s29 =	simm.s32 $0x9;
	_ =	strace $0x8000004B  }
0xb4: {  	_ =	swait.ge [sflag:s29], $0x1  }
0xb5: {  	[sflag:s29] =	ssyncadd.s32 $0xFFFFFFFF  }
0xb6: {  	_ =	strace $0x9000004B  }
0xb7: {  	_ =	sfence  }
0xb8: {  	s30 =	sld [smem:$0x0];
	_ =	sdelay $0x2  }
0xb9: {  	s31 =	sshll.u32 s1, $0xD;
	s1 =	sshrl.u32 s1, $0x2  }
0xba: {  	s3 =	sand.u32 $0x4000, s31;
	s1 =	sadd.s32 s1, s30  }
0xbb: {  	s0 =	sor.u32 s3, s0;
	s1 =	sshll.u32 s1, $0x11  }
0xbc: {  	s0 =	sor.u32 s1, s0  }
0xbd: {  	s0 =	sadd.s32 $0x8F2B, s0  }
0xbe: {  	[sflag:s0] =	ssyncadd.remote.s32 $0x1  }
0xbf: {  	_ =	sfence.sel $0xFFFF  }
0xc0: {  	[dreg:$0x0] =	wrdreg $0xFFFFFFFF;
	(pc) =	sbr.abs _section_cstart, $3  }
0xc1: {  	[dreg:$0x1] =	wrdreg $0xFFFFFFFF  }
0xc2: {  	_ =	task.clear_ibuf [dreg:s7], $0x2FFFF;
	_ =	strace $0x9FFFFFFF  }
0xc3: {  	(tm) =	ssettm $0x7FFFFFFF  }
tec
execute0_lowered:
.L_overlay_start_1:
0x0: {  	(tag) =	ssettag $0x1  }
0x1: {  	s0 =	rddreg [dreg:$0x0]  }
0x2: {  	s1 =	rddreg [dreg:$0x1];
	s3 =	srdreg.scid  }
0x3: {  	s6 =	stileid.u32;
	s2 =	rddreg [dreg:$0x2];
	s16 =	simm.s32 $0x8  }
0x4: {  	s18 =	simm.s32 $0x7;
	s19 =	simm.s32 $0x50;
	s20 =	simm.s32 $0x4000  }
0x5: {  	s28 =	simm.s32 $0x5;
	s29 =	simm.s32 $0x3;
	s30 =	simm.s32 $0x6  }
0x6: {  	s31 =	simm.s32 $0x0;
	s7 =	sand.u32 $0x1, s3;
	s4 =	sshll.u32 s6, $0x1  }
0x7: {  	s3 =	simm.s32 $0x0;
	s5 =	sadd.s32 $0x2800, s1;
	s10 =	smul.u32 $0x4E000, s6  }
0x8: {  	s1 =	sadd.s32 $0x2A800, s1;
	s12 =	smul.u32 $0x13800, s6;
	s23 =	sshll.u32 s6, $0x6  }
0x9: {  	s17 =	sadd.s32 $0x138000, s2;
	s26 =	sadd.s32 $0x27000, s0;
	p0 =	sne.s32 s6, $0x0  }
0xa: {  	s4 =	sor.u32 s7, s4;
	s8 =	ssub.s32 $0x2, s7;
	s7 =	smul.u32 $0x138800, s7  }
0xb: {  	[smem:$0x7FF] =	sst s3;
	s17 =	sshrl.u32 @!p0 s17, $0x3;
	s4 =	smul.u32 $0x5000, s4  }
0xc: {  	_ =	strace $0x8000004A;
	s11 =	sshrl.u32 s8, $0x1;
	s21 =	sshrl.u32 s10, $0x2  }
0xd: {  	s22 =	sshrl.u32 s12, $0x3;
	[dreg:$0x7] =	wrdreg s26;
	s26 =	simm.s32 $0x2  }
0xe: {  	s8 =	ssub.s32 s8, s11;
	s14 =	sadd.s32 s21, s2;
	s24 =	sadd.s32 s0, s22  }
0xf: {  	s25 =	sadd.s32 s12, s7;
	s7 =	sshrl.u32 s7, $0x3;
	s22 =	simm.s32 $0x6800  }
0x10: {  	s9 =	sshrl.u32 s4, $0x3;
	[dreg:$0x6] =	wrdreg s24;
	s11 =	sshrl.u32 s25, $0x3  }
.Ltmp0:
0x11: {  	s7 =	sadd.s32 s1, s7;
	s13 =	smax.u32 s8, $0x1;
	(pc) =	sbr.rel .LBB2_1-.Ltmp0, $4  }
0x12: {  	s15 =	sshrl.u32 s14, $0x3;
	s24 =	simm.s32 $0x1;
	s9 =	sadd.s32 s5, s9  }
0x13: {  	s25 =	simm.s32 $0x4;
	s1 =	sadd.s32 s1, s11;
	[dreg:$0x4] =	wrdreg s9  }
0x14: {  	s12 =	sadd.s32 $0x27000, s7;
	s9 =	sadd.s32 $0x14000, s9;
	[dreg:$0x8] =	wrdreg s1  }
0x15: {  	[dreg:$0x5] =	wrdreg s9;
	s9 =	sor.u32 $0x1C08, s23;
	s23 =	simm.s32 $0x9000  }
.LBB2_6:
0x16: {  	[bflag:$0x0] =	sbarrier.arrive $0xFFFF  }
0x17: {  	s1 =	rddreg [dreg:$0x8]  }
0x18: {  	[hbm:s1], [sflag:s9] =	dma.local [spmem:s15], $0x2700  }
0x19: {  	s31 =	sadd.s32 $0x1, s31;
	_ =	swait.ge [sflag:s16], $0x2700  }
0x1a: {  	p1 =	sne.s32 s31, s13;
	[sflag:s16] =	ssyncset.done $0x0  }
.Ltmp1:
0x1b: {  	s1 =	simm.s32 @!p0 $0x8;
	[sflag:s16] =	ssyncadd.s32 $0xFFFFD900;
	(pc) =	sbr.rel @!p1 .LBB2_7-.Ltmp1, $4  }
0x1c: {  	[hbm:s12], [sflag:s9] =	dma.local @!p0 [spmem:s17], $0x100  }
0x1d: {  	_ =	swait.ge @!p0 [sflag:s1], $0x100  }
0x1e: {  	[sflag:s1] =	ssyncset.done @!p0 $0x0  }
0x1f: {  	[sflag:s1] =	ssyncadd.s32 @!p0 $0xFFFFFF00  }
.LBB2_1:
0x20: {  	s1 =	rddreg [dreg:$0x4]  }
0x21: {  	s11 =	rddreg [dreg:$0x5]  }
0x22: {  	[tilespmem:s3], [sflag:$0x7] =	stream.linear.gather [hbm4b:s1+s3], $0xC80, $0x38;
	[tilespmem:$0x1F080] =	vst v63  }
0x23: {  	s6 =	simm.s32 $0x2000;
	s14 =	rddreg [dreg:$0x6]  }
0x24: {  	[tilespmem:s6], [sflag:$0x7] =	stream.linear.gather [hbm4b:s11+s3], $0xC80, $0x38;
	[tilespmem:$0x1F080] =	vst v63  }
0x25: {  	[spmem:s15], [sflag:s9] =	dma.local [hbm:s14], $0x2700  }
0x26: {  	_ =	swait.ge [sflag:s16], $0x2700  }
0x27: {  	[sflag:s16] =	ssyncset.done $0x0  }
0x28: {  	s1 =	rddreg [dreg:$0x7];
	[sflag:s16] =	ssyncadd.s32 $0xFFFFD900  }
0x29: {  	[spmem:s17], [sflag:s9] =	dma.local @!p0 [hbm:s1], $0x100  }
0x2a: {  	s1 =	simm.s32 @!p0 $0x8  }
0x2b: {  	_ =	swait.ge @!p0 [sflag:s1], $0x100  }
0x2c: {  	[sflag:s1] =	ssyncset.done @!p0 $0x0  }
0x2d: {  	[sflag:s1] =	ssyncadd.s32 @!p0 $0xFFFFFF00  }
0x2e: {  	_ =	swait.ge [sflag:s18], $0xC80  }
0x2f: {  	[sflag:s18] =	ssyncset.done $0x0  }
0x30: {  	[sflag:s18] =	ssyncadd.s32 $0xFFFFF380  }
0x31: {  	_ =	swait.ge [sflag:s18], $0xC80  }
0x32: {  	[sflag:s18] =	ssyncset.done $0x0  }
0x33: {  	[sflag:s18] =	ssyncadd.s32 $0xFFFFF380  }
0x34: {  	[tilespmem:s20], [sflag:$0x1] =	stream.indirect.gather [hbm4b:s0+s19], $0x80, s3, s19, $0xb8;
	[tilespmem:$0x1F080] =	vst v63  }
0x35: {  	s21 =	simm.s32 $0x80  }
0x36: {  	[tilespmem:s22], [sflag:$0x2] =	stream.indirect.gather [hbm4b:s0+s19], $0x80, s21, s19, $0xb8;
	[tilespmem:$0x1F080] =	vst v63  }
0x37: {  	s1 =	simm.s32 $0x0;
	[bflag:$0x0] =	sbarrier.arrive $0xFFFF  }
.LBB2_2:
0x38: {  	s6 =	smov.u32 s1  }
0x39: {  	s1 =	sadd.s32 $0x1, s1;
	p1 =	seq.s32 s6, $0x4  }
0x3a: {  	s7 =	sshll.u32 @!p1 s1, $0xC  }
0x3b: {  	s21 =	sand.u32 $0x1, s6;
	s6 =	sadd.s32 @!p1 s4, s7  }
0x3c: {  	s14 =	sshll.u32 @!p1 s21, $0xC;
	s6 =	sshrl.u32 @!p1 s6, $0x3  }
0x3d: {  	s8 =	simm.s32 @!p1 $0x0;
	s7 =	sxor.u32 @!p1 $0x1000, s14;
	s6 =	sadd.s32 @!p1 s5, s6  }
0x3e: {  	[tilespmem:s7], [sflag:$0x7] =	stream.linear.gather @!p1 [hbm4b:s6+s8], $0xC80, $0x38;
	[tilespmem:$0x1F080] =	vst v63  }
0x3f: {  	s7 =	sxor.u32 @!p1 $0x3000, s14;
	s6 =	sadd.s32 @!p1 $0x14000, s6;
	s14 =	simm.s32 @p1 $0x0  }
0x40: {  	[tilespmem:s7], [sflag:$0x7] =	stream.linear.gather @!p1 [hbm4b:s6+s8], $0xC80, $0x38;
	[tilespmem:$0x1F080] =	vst v63  }
0x41: {  	s7 =	sor.u32 $0x100, s14  }
0x42: {  	[tilespmem:s23], [sflag:$0x3] =	stream.indirect.gather [hbm4b:s0+s19], $0x80, s7, s19, $0xb8;
	[tilespmem:$0x1F080] =	vst v63  }
0x43: {  	_ =	swait.ge [sflag:s24], $0x2800  }
0x44: {  	[sflag:s24] =	ssyncset.done $0x0  }
0x45: {  	s7 =	sor.u32 $0x2000, s14;
	[sflag:s24] =	ssyncadd.s32 $0xFFFFD800  }
0x46: {  	[spmem:s2] =	stream.indirect.scatter.add.f32 [tilespmem:s20], [sflag:$0x4], $0x80, s7, s19, $0xb8;
	[tilespmem:$0x1F080] =	vst v63  }
0x47: {  	_ =	swait.ge [sflag:s25], $0x2800  }
0x48: {  	[sflag:s25] =	ssyncset.done $0x0  }
0x49: {  	s8 =	sadd.s32 $0x180, s14;
	[sflag:s25] =	ssyncadd.s32 $0xFFFFD800  }
0x4a: {  	[tilespmem:s20], [sflag:$0x1] =	stream.indirect.gather [hbm4b:s0+s19], $0x80, s8, s19, $0xb8;
	[tilespmem:$0x1F080] =	vst v63  }
0x4b: {  	_ =	swait.ge [sflag:s26], $0x2800  }
0x4c: {  	[sflag:s26] =	ssyncset.done $0x0  }
0x4d: {  	s10 =	sadd.s32 $0x2080, s14;
	[sflag:s26] =	ssyncadd.s32 $0xFFFFD800  }
0x4e: {  	[spmem:s2] =	stream.indirect.scatter.add.f32 [tilespmem:s22], [sflag:$0x5], $0x80, s10, s19, $0xb8;
	[tilespmem:$0x1F080] =	vst v63  }
0x4f: {  	_ =	swait.ge [sflag:s28], $0x2800  }
0x50: {  	[sflag:s28] =	ssyncset.done $0x0  }
0x51: {  	s11 =	sadd.s32 $0x200, s14;
	[sflag:s28] =	ssyncadd.s32 $0xFFFFD800  }
0x52: {  	[tilespmem:s22], [sflag:$0x2] =	stream.indirect.gather [hbm4b:s0+s19], $0x80, s11, s19, $0xb8;
	[tilespmem:$0x1F080] =	vst v63  }
0x53: {  	_ =	swait.ge [sflag:s29], $0x2800  }
0x54: {  	[sflag:s29] =	ssyncset.done $0x0  }
0x55: {  	s8 =	sor.u32 $0x2100, s14;
	[sflag:s29] =	ssyncadd.s32 $0xFFFFD800  }
0x56: {  	[spmem:s2] =	stream.indirect.scatter.add.f32 [tilespmem:s23], [sflag:$0x6], $0x80, s8, s19, $0xb8;
	[tilespmem:$0x1F080] =	vst v63  }
0x57: {  	_ =	swait.ge [sflag:s30], $0x2800  }
0x58: {  	s6 =	sadd.s32 $0x0, s14;
	[sflag:s30] =	ssyncset.done $0x0  }
0x59: {  	s10 =	sadd.s32 $0x280, s6;
	[sflag:s30] =	ssyncadd.s32 $0xFFFFD800  }
0x5a: {  	[tilespmem:s23], [sflag:$0x3] =	stream.indirect.gather [hbm4b:s0+s19], $0x80, s10, s19, $0xb8;
	[tilespmem:$0x1F080] =	vst v63  }
0x5b: {  	_ =	swait.ge [sflag:s24], $0x2800  }
0x5c: {  	s8 =	sadd.s32 $0x0, s7;
	[sflag:s24] =	ssyncset.done $0x0  }
0x5d: {  	s10 =	sadd.s32 $0x180, s8;
	[sflag:s24] =	ssyncadd.s32 $0xFFFFD800  }
0x5e: {  	[spmem:s2] =	stream.indirect.scatter.add.f32 [tilespmem:s20], [sflag:$0x4], $0x80, s10, s19, $0xb8;
	[tilespmem:$0x1F080] =	vst v63  }
0x5f: {  	_ =	swait.ge [sflag:s25], $0x2800  }
0x60: {  	[sflag:s25] =	ssyncset.done $0x0  }
0x61: {  	s11 =	sadd.s32 $0x300, s6;
	[sflag:s25] =	ssyncadd.s32 $0xFFFFD800  }
0x62: {  	[tilespmem:s20], [sflag:$0x1] =	stream.indirect.gather [hbm4b:s0+s19], $0x80, s11, s19, $0xb8;
	[tilespmem:$0x1F080] =	vst v63  }
0x63: {  	_ =	swait.ge [sflag:s26], $0x2800  }
0x64: {  	[sflag:s26] =	ssyncset.done $0x0  }
0x65: {  	s11 =	sadd.s32 $0x200, s8;
	[sflag:s26] =	ssyncadd.s32 $0xFFFFD800  }
0x66: {  	[spmem:s2] =	stream.indirect.scatter.add.f32 [tilespmem:s22], [sflag:$0x5], $0x80, s11, s19, $0xb8;
	[tilespmem:$0x1F080] =	vst v63  }
0x67: {  	_ =	swait.ge [sflag:s28], $0x2800  }
0x68: {  	[sflag:s28] =	ssyncset.done $0x0  }
0x69: {  	s6 =	sadd.s32 $0x380, s6;
	[sflag:s28] =	ssyncadd.s32 $0xFFFFD800  }
0x6a: {  	[tilespmem:s22], [sflag:$0x2] =	stream.indirect.gather [hbm4b:s0+s19], $0x80, s6, s19, $0xb8;
	[tilespmem:$0x1F080] =	vst v63  }
0x6b: {  	_ =	swait.ge [sflag:s29], $0x2800  }
0x6c: {  	[sflag:s29] =	ssyncset.done $0x0  }
0x6d: {  	s8 =	sadd.s32 $0x280, s8;
	s6 =	simm.s32 $0x600;
	[sflag:s29] =	ssyncadd.s32 $0xFFFFD800  }
.LBB2_3:
0x6e: {  	[spmem:s2] =	stream.indirect.scatter.add.f32 [tilespmem:s23], [sflag:$0x6], $0x80, s8, s19, $0xb8;
	[tilespmem:$0x1F080] =	vst v63  }
0x6f: {  	s8 =	sshra.s32 s6, $0x2;
	s6 =	sadd.s32 $0x600, s6;
	_ =	swait.ge [sflag:s30], $0x2800  }
0x70: {  	s10 =	sadd.s32 s8, s14;
	s8 =	sadd.s32 s8, s7;
	[sflag:s30] =	ssyncset.done $0x0  }
0x71: {  	p2 =	sne.s32 s6, $0x2400;
	s11 =	sadd.s32 $0x280, s10;
	[sflag:s30] =	ssyncadd.s32 $0xFFFFD800  }
0x72: {  	[tilespmem:s23], [sflag:$0x3] =	stream.indirect.gather [hbm4b:s0+s19], $0x80, s11, s19, $0xb8;
	[tilespmem:$0x1F080] =	vst v63  }
0x73: {  	_ =	swait.ge [sflag:s24], $0x2800  }
0x74: {  	[sflag:s24] =	ssyncset.done $0x0  }
0x75: {  	s11 =	sadd.s32 $0x180, s8;
	[sflag:s24] =	ssyncadd.s32 $0xFFFFD800  }
0x76: {  	[spmem:s2] =	stream.indirect.scatter.add.f32 [tilespmem:s20], [sflag:$0x4], $0x80, s11, s19, $0xb8;
	[tilespmem:$0x1F080] =	vst v63  }
0x77: {  	_ =	swait.ge [sflag:s25], $0x2800  }
0x78: {  	[sflag:s25] =	ssyncset.done $0x0  }
0x79: {  	s11 =	sadd.s32 $0x300, s10;
	[sflag:s25] =	ssyncadd.s32 $0xFFFFD800  }
0x7a: {  	[tilespmem:s20], [sflag:$0x1] =	stream.indirect.gather [hbm4b:s0+s19], $0x80, s11, s19, $0xb8;
	[tilespmem:$0x1F080] =	vst v63  }
0x7b: {  	_ =	swait.ge [sflag:s26], $0x2800  }
0x7c: {  	[sflag:s26] =	ssyncset.done $0x0  }
0x7d: {  	s11 =	sadd.s32 $0x200, s8;
	[sflag:s26] =	ssyncadd.s32 $0xFFFFD800  }
0x7e: {  	[spmem:s2] =	stream.indirect.scatter.add.f32 [tilespmem:s22], [sflag:$0x5], $0x80, s11, s19, $0xb8;
	[tilespmem:$0x1F080] =	vst v63  }
0x7f: {  	_ =	swait.ge [sflag:s28], $0x2800  }
0x80: {  	[sflag:s28] =	ssyncset.done $0x0  }
.Ltmp2:
0x81: {  	s10 =	sadd.s32 $0x380, s10;
	[sflag:s28] =	ssyncadd.s32 $0xFFFFD800;
	(pc) =	sbr.rel @p2 .LBB2_3-.Ltmp2, $4  }
0x82: {  	[tilespmem:s22], [sflag:$0x2] =	stream.indirect.gather [hbm4b:s0+s19], $0x80, s10, s19, $0xb8;
	[tilespmem:$0x1F080] =	vst v63  }
0x83: {  	_ =	swait.ge [sflag:s29], $0x2800  }
0x84: {  	[sflag:s29] =	ssyncset.done $0x0  }
0x85: {  	s8 =	sadd.s32 $0x280, s8;
	[sflag:s29] =	ssyncadd.s32 $0xFFFFD800  }
0x86: {  	[spmem:s2] =	stream.indirect.scatter.add.f32 [tilespmem:s23], [sflag:$0x6], $0x80, s8, s19, $0xb8;
	[tilespmem:$0x1F080] =	vst v63  }
0x87: {  	_ =	swait.ge [sflag:s30], $0x2800  }
0x88: {  	[sflag:s30] =	ssyncset.done $0x0  }
0x89: {  	s10 =	sor.u32 $0xB80, s14;
	[sflag:s30] =	ssyncadd.s32 $0xFFFFD800  }
0x8a: {  	[tilespmem:s23], [sflag:$0x3] =	stream.indirect.gather [hbm4b:s0+s19], $0x80, s10, s19, $0xb8;
	[tilespmem:$0x1F080] =	vst v63  }
0x8b: {  	s6 =	sshra.s32 s6, $0x2;
	_ =	swait.ge [sflag:s24], $0x2800  }
0x8c: {  	s7 =	sadd.s32 s6, s7;
	[sflag:s24] =	ssyncset.done $0x0  }
0x8d: {  	s11 =	sadd.s32 $0x180, s7;
	[sflag:s24] =	ssyncadd.s32 $0xFFFFD800  }
0x8e: {  	[spmem:s2] =	stream.indirect.scatter.add.f32 [tilespmem:s20], [sflag:$0x4], $0x80, s11, s19, $0xb8;
	[tilespmem:$0x1F080] =	vst v63  }
0x8f: {  	_ =	swait.ge [sflag:s25], $0x2800  }
0x90: {  	s6 =	sadd.s32 s6, s14;
	[sflag:s25] =	ssyncset.done $0x0  }
0x91: {  	s6 =	sadd.s32 $0x300, s6;
	[sflag:s25] =	ssyncadd.s32 $0xFFFFD800  }
0x92: {  	[tilespmem:s20], [sflag:$0x1] =	stream.indirect.gather [hbm4b:s0+s19], $0x80, s6, s19, $0xb8;
	[tilespmem:$0x1F080] =	vst v63  }
0x93: {  	_ =	swait.ge [sflag:s26], $0x2800  }
0x94: {  	[sflag:s26] =	ssyncset.done $0x0  }
0x95: {  	s10 =	sadd.s32 $0x200, s7;
	[sflag:s26] =	ssyncadd.s32 $0xFFFFD800  }
0x96: {  	[spmem:s2] =	stream.indirect.scatter.add.f32 [tilespmem:s22], [sflag:$0x5], $0x80, s10, s19, $0xb8;
	[tilespmem:$0x1F080] =	vst v63  }
0x97: {  	_ =	swait.ge [sflag:s28], $0x2800  }
0x98: {  	[sflag:s28] =	ssyncset.done $0x0  }
0x99: {  	[sflag:s28] =	ssyncadd.s32 $0xFFFFD800  }
0x9a: {  	_ =	swait.ge [sflag:s29], $0x2800  }
0x9b: {  	[sflag:s29] =	ssyncset.done $0x0  }
0x9c: {  	s11 =	sor.u32 $0x2B80, s14;
	[sflag:s29] =	ssyncadd.s32 $0xFFFFD800  }
0x9d: {  	[spmem:s2] =	stream.indirect.scatter.add.f32 [tilespmem:s23], [sflag:$0x6], $0x80, s11, s19, $0xb8;
	[tilespmem:$0x1F080] =	vst v63  }
0x9e: {  	_ =	swait.ge [sflag:s30], $0x2800  }
0x9f: {  	[sflag:s30] =	ssyncset.done $0x0  }
0xa0: {  	[sflag:s30] =	ssyncadd.s32 $0xFFFFD800  }
0xa1: {  	_ =	swait.ge [sflag:s24], $0x2800  }
0xa2: {  	s21 =	sshll.u32 s21, $0xC;
	[sflag:s24] =	ssyncset.done $0x0  }
.Ltmp3:
0xa3: {  	s6 =	sor.u32 $0x2C00, s21;
	[sflag:s24] =	ssyncadd.s32 $0xFFFFD800;
	(pc) =	sbr.rel @p1 .LBB2_6-.Ltmp3, $4  }
0xa4: {  	[spmem:s2] =	stream.indirect.scatter.add.f32 [tilespmem:s20], [sflag:$0x4], $0x80, s6, s19, $0xb8;
	[tilespmem:$0x1F080] =	vst v63  }
0xa5: {  	_ =	swait.ge [sflag:s25], $0x2800  }
0xa6: {  	[sflag:s25] =	ssyncset.done $0x0  }
0xa7: {  	[sflag:s25] =	ssyncadd.s32 $0xFFFFD800  }
0xa8: {  	_ =	swait.ge [sflag:s18], $0xC80  }
0xa9: {  	[sflag:s18] =	ssyncset.done $0x0  }
0xaa: {  	[sflag:s18] =	ssyncadd.s32 $0xFFFFF380  }
0xab: {  	_ =	swait.ge [sflag:s18], $0xC80  }
.Ltmp4:
0xac: {  	[sflag:s18] =	ssyncset.done $0x0;
	(pc) =	sbr.rel .LBB2_2-.Ltmp4, $4  }
0xad: {  	s6 =	ssub.s32 $0x1000, s14;
	[sflag:s18] =	ssyncadd.s32 $0xFFFFF380  }
0xae: {  	[tilespmem:s20], [sflag:$0x1] =	stream.indirect.gather [hbm4b:s0+s19], $0x80, s6, s19, $0xb8;
	[tilespmem:$0x1F080] =	vst v63  }
0xaf: {  	s21 =	ssub.s32 $0x1080, s14  }
0xb0: {  	[tilespmem:s22], [sflag:$0x2] =	stream.indirect.gather [hbm4b:s0+s19], $0x80, s21, s19, $0xb8;
	[tilespmem:$0x1F080] =	vst v63  }
.LBB2_7:
0xb1: {  	_ =	sfence.sel $0x180000  }
0xb2: {  	[bflag:$0x0] =	sbarrier.arrive $0xFFFF  }
0xb3: {  	_ =	strace $0x9000004A  }
0xb4: {  	[bflag:$0x2] =	sbarrier.arrive $0xFFFF  }
0xb5: {  	s0 =	rddreg [dreg:$0x3]  }
0xb6: {  	s0 =	sadd.s32 @!p0 $0x100000, s0  }
0xb7: {  	[sflag:s0] =	ssyncadd.tile.s32 @!p0 $0x1;
	_ =	shalt  }
.Lfunc_end2:
_tile_overlayer_lowered:
.L_overlay_start_2:
0xb8: {  	(tag) =	ssettag $0x2  }
0xb9: {  	s0 =	rddreg [dreg:$0x0];
	s2 =	stileid.u32  }
0xba: {  	s1 =	rddreg [dreg:$0x1];
	p0 =	sne.s32 s2, $0x0  }
0xbb: {  	s3 =	rddreg [dreg:$0x2];
	[bflag:$0x3] =	sbarrier.arrive $0xFFFF;
	s2 =	simm.s32 @!p0 $0x1C08  }
0xbc: {  	[timem:s3], [sflag:s2] =	dma.local @!p0 [hbm:s0], s1  }
0xbd: {  	s0 =	simm.s32 @!p0 $0x8  }
0xbe: {  	_ =	swait.ge @!p0 [sflag:s0], s1  }
0xbf: {  	s1 =	ssub.s32 @!p0 $0x0, s1;
	[sflag:s0] =	ssyncset.done @!p0 $0x0  }
0xc0: {  	[sflag:s0] =	ssyncadd.s32 @!p0 s1  }
0xc1: {  	[bflag:$0x3] =	sbarrier.arrive $0xFFFF  }
0xc2: {  	_ =	shalt  }

</sc_bundles>
